<compile_context>
chip_gen: v7x
topology: tpu7x:2x2x1
jax: 0.10.2.dev20260603
libtpu: 0.0.44.dev20260713+nightly
codegen_flags: <defaults>
</compile_context>

<pallas_src>
import functools

import jax
import jax.numpy as jnp
from jax import lax
from jax.experimental import pallas as pl
from jax.experimental.pallas import tpu as pltpu
from jax.experimental.pallas import tpu_sc as plsc

N = 16384
D = 128
NC = 2
NS = 16
NW = NC * NS
BPW = N // NW
CH = 128
NCHUNK = BPW // CH
NT = 2 * NCHUNK
NBUF = 7

_mesh = plsc.VectorSubcoreMesh(core_axis_name="c", subcore_axis_name="s")


@functools.partial(
    pl.kernel,
    mesh=_mesh,
    out_type=jax.ShapeDtypeStruct((N, 2, D), jnp.float32),
    scratch_types=[
        pltpu.VMEM((BPW,), jnp.int32),
        pltpu.VMEM((BPW,), jnp.int32),
        pltpu.VMEM((NBUF, CH, D), jnp.float32),
        pltpu.SemaphoreType.DMA,
        pltpu.SemaphoreType.DMA,
    ]
    + [pltpu.SemaphoreType.DMA for _ in range(NT)]
    + [pltpu.SemaphoreType.DMA for _ in range(NT)],
)
def _seed_lookup_sc(src_hbm, dst_hbm, sidx_hbm, didx_hbm, out_hbm,
                    sidx_v, didx_v, bufs, isem0, isem1, *gs_sems):
    gsems = gs_sems[:NT]
    ssems = gs_sems[NT:]
    wid = lax.axis_index("s") * NC + lax.axis_index("c")
    base = wid * BPW
    icpy0 = pltpu.async_copy(sidx_hbm.at[pl.ds(base, BPW)], sidx_v, isem0)
    icpy1 = pltpu.async_copy(didx_hbm.at[pl.ds(base, BPW)], didx_v, isem1)

    tasks = [(src_hbm, sidx_v, 0, j) for j in range(NCHUNK)] + \
            [(dst_hbm, didx_v, 1, j) for j in range(NCHUNK)]

    def start_gather(t):
        table, idx_v, _, j = tasks[t]
        return pltpu.async_copy(table.at[idx_v.at[pl.ds(j * CH, CH)]],
                                bufs.at[t % NBUF], gsems[t])

    def start_scatter(t):
        _, _, col, j = tasks[t]
        return pltpu.async_copy(bufs.at[t % NBUF],
                                out_hbm.at[pl.ds(base + j * CH, CH), col],
                                ssems[t])

    gat = [None] * NT
    sca = [None] * NT
    icpy0.wait()
    for t in range(NCHUNK):
        gat[t] = start_gather(t)
    icpy1.wait()
    for t in range(NCHUNK, min(NBUF, NT)):
        gat[t] = start_gather(t)
    for t in range(NT):
        if gat[t] is None:
            sca[t - NBUF].wait()
            gat[t] = start_gather(t)
        gat[t].wait()
        sca[t] = start_scatter(t)
    for t in range(NT):
        if sca[t] is not None and t < NT - NBUF:
            continue
        sca[t].wait()


def kernel(src_embed, dst_embed, seed_lookup_idx):
    idx32 = seed_lookup_idx.astype(jnp.int32)
    return _seed_lookup_sc(src_embed, dst_embed,
                           idx32[:, 0], idx32[:, 1])

# --- scband reference (transcript-rebuilt; emitter-appended) ---
"""Pipeline reference for scband-seed-lookup-81372450390241 (READ-ONLY COPY).

The authoritative reference and input builder live on the scoring server;
editing this copy changes nothing except your own understanding.
"""

import jax, jax.numpy as jnp
import numpy as np

TARGET_TYPE = "user:click:item"

def setup_inputs(seed: int = 0) -> dict:
    key = jax.random.key(seed)
    k1, k2, k3 = jax.random.split(key, 3)
    src_embed = jax.random.normal(k1, (100000, 128), dtype=jnp.float32)
    dst_embed = jax.random.normal(k2, (100000, 128), dtype=jnp.float32)
    seed_lookup_idx = jax.random.randint(k3, (16384, 2), 0, 100000, dtype=jnp.int64)
    return {"src_embed": src_embed, "dst_embed": dst_embed, "seed_lookup_idx": seed_lookup_idx}

def reference(src_embed, dst_embed, seed_lookup_idx):
    # Faithful translation of SeedLookup.forward for an edge-type target
    # (src_type, relation, dst_type) = TARGET_TYPE.split(':')
    # node_embed_dict = {src_type: src_embed, dst_type: dst_embed}
    src_type, _, dst_type = TARGET_TYPE.split(':')
    node_embed_dict = {src_type: src_embed, dst_type: dst_embed}
    src_e = node_embed_dict[src_type]
    dst_e = node_embed_dict[dst_type]
    src_seed_embed = jnp.take(src_e, seed_lookup_idx[:, 0], axis=0)
    dst_seed_embed = jnp.take(dst_e, seed_lookup_idx[:, 1], axis=0)
    return jnp.stack([src_seed_embed, dst_seed_embed], axis=1)

if __name__ == "__main__":
    import jax
    _d = setup_inputs()
    print(jax.jit(kernel)(*tuple(_d.values())))

</pallas_src>

<mosaic_0001>
#map = affine_map<(d0, d1) -> (0, 0)>
#map1 = affine_map<(d0, d1) -> (0)>
#map2 = affine_map<(d0, d1) -> (0, 0, 0)>
module attributes {stable_mosaic.version = 14 : i64} {
  func.func @_seed_lookup_sc(%arg0: i32, %arg1: i32, %arg2: memref<100000x128xf32, #tpu.memory_space<hbm>>, %arg3: memref<100000x128xf32, #tpu.memory_space<hbm>>, %arg4: memref<16384xi32, #tpu.memory_space<hbm>>, %arg5: memref<16384xi32, #tpu.memory_space<hbm>>, %arg6: memref<16384x2x128xf32, #tpu.memory_space<hbm>>, %arg7: memref<512xi32, #tpu.memory_space<vmem>>, %arg8: memref<512xi32, #tpu.memory_space<vmem>>, %arg9: memref<7x128x128xf32, #tpu.memory_space<vmem>>, %arg10: memref<!tpu.dma_semaphore, #tpu.memory_space<semaphore_mem>>, %arg11: memref<!tpu.dma_semaphore, #tpu.memory_space<semaphore_mem>>, %arg12: memref<!tpu.dma_semaphore, #tpu.memory_space<semaphore_mem>>, %arg13: memref<!tpu.dma_semaphore, #tpu.memory_space<semaphore_mem>>, %arg14: memref<!tpu.dma_semaphore, #tpu.memory_space<semaphore_mem>>, %arg15: memref<!tpu.dma_semaphore, #tpu.memory_space<semaphore_mem>>, %arg16: memref<!tpu.dma_semaphore, #tpu.memory_space<semaphore_mem>>, %arg17: memref<!tpu.dma_semaphore, #tpu.memory_space<semaphore_mem>>, %arg18: memref<!tpu.dma_semaphore, #tpu.memory_space<semaphore_mem>>, %arg19: memref<!tpu.dma_semaphore, #tpu.memory_space<semaphore_mem>>, %arg20: memref<!tpu.dma_semaphore, #tpu.memory_space<semaphore_mem>>, %arg21: memref<!tpu.dma_semaphore, #tpu.memory_space<semaphore_mem>>, %arg22: memref<!tpu.dma_semaphore, #tpu.memory_space<semaphore_mem>>, %arg23: memref<!tpu.dma_semaphore, #tpu.memory_space<semaphore_mem>>, %arg24: memref<!tpu.dma_semaphore, #tpu.memory_space<semaphore_mem>>, %arg25: memref<!tpu.dma_semaphore, #tpu.memory_space<semaphore_mem>>, %arg26: memref<!tpu.dma_semaphore, #tpu.memory_space<semaphore_mem>>, %arg27: memref<!tpu.dma_semaphore, #tpu.memory_space<semaphore_mem>>) attributes {dimension_semantics = [#tpu.dimension_semantics<core_parallel>, #tpu.dimension_semantics<subcore_parallel>], iteration_bounds = array<i64: 2, 16>, scalar_prefetch = 0 : i64, scratch_operands = 21 : i64, tpu.core_type = #tpu.core_type<sc_vector_subcore>, window_params = [{transform_indices = #map}, {transform_indices = #map}, {transform_indices = #map1}, {transform_indices = #map1}, {transform_indices = #map2}]} {
    %mul3A = arith.constant 2 : i32
    %mul3A_0 = arith.muli %arg1, %mul3A : i32
    %add3A = arith.addi %mul3A_0, %arg0 : i32
    %mul3A_1 = arith.constant 512 : i32
    %mul3A_2 = arith.muli %add3A, %mul3A_1 : i32
    %dma_start3A = tpu.memref_slice %arg4[%mul3A_2] : memref<16384xi32, #tpu.memory_space<hbm>> -> memref<512xi32, #tpu.memory_space<hbm>>
    %dma_start3A_3 = tpu.memref_slice %arg4[%mul3A_2] : memref<16384xi32, #tpu.memory_space<hbm>> -> memref<512xi32, #tpu.memory_space<hbm>>
    tpu.enqueue_dma source(%dma_start3A_3 : memref<512xi32, #tpu.memory_space<hbm>>) target(%arg7 : memref<512xi32, #tpu.memory_space<vmem>>) target_semaphore(%arg10 : memref<!tpu.dma_semaphore, #tpu.memory_space<semaphore_mem>>)
    %dma_start3A_4 = tpu.memref_slice %arg5[%mul3A_2] : memref<16384xi32, #tpu.memory_space<hbm>> -> memref<512xi32, #tpu.memory_space<hbm>>
    %dma_start3A_5 = tpu.memref_slice %arg5[%mul3A_2] : memref<16384xi32, #tpu.memory_space<hbm>> -> memref<512xi32, #tpu.memory_space<hbm>>
    tpu.enqueue_dma source(%dma_start3A_5 : memref<512xi32, #tpu.memory_space<hbm>>) target(%arg8 : memref<512xi32, #tpu.memory_space<vmem>>) target_semaphore(%arg11 : memref<!tpu.dma_semaphore, #tpu.memory_space<semaphore_mem>>)
    %dma_wait3A = tpu.memref_slice %arg4[%mul3A_2] : memref<16384xi32, #tpu.memory_space<hbm>> -> memref<512xi32, #tpu.memory_space<hbm>>
    %dma_wait3A_6 = tpu.memref_slice %arg4[%mul3A_2] : memref<16384xi32, #tpu.memory_space<hbm>> -> memref<512xi32, #tpu.memory_space<hbm>>
    tpu.wait_dma2 semaphore(%arg10 : memref<!tpu.dma_semaphore, #tpu.memory_space<semaphore_mem>>) src(%dma_wait3A_6 : memref<512xi32, #tpu.memory_space<hbm>>) dst(%arg7 : memref<512xi32, #tpu.memory_space<vmem>>)
    %dma_start3A_7 = arith.constant 0 : i32
    %dma_start3A_8 = arith.constant 0 : i32
    %dma_start3A_9 = arith.constant 0 : i32
    %dma_start3A_10 = tpu.memref_slice %arg9[%dma_start3A_7, %dma_start3A_8, %dma_start3A_9] : memref<7x128x128xf32, #tpu.memory_space<vmem>> -> memref<1x128x128xf32, #tpu.memory_space<vmem>>
    %dma_start3A_11 = tpu.memref_squeeze %dma_start3A_10 : memref<1x128x128xf32, #tpu.memory_space<vmem>> -> memref<128x128xf32, #tpu.memory_space<vmem>>
    %dma_start3A_12 = arith.constant 0 : i32
    %dma_start3A_13 = tpu.memref_slice %arg7[%dma_start3A_12] : memref<512xi32, #tpu.memory_space<vmem>> -> memref<128xi32, #tpu.memory_space<vmem>>
    %dma_start3A_14 = arith.constant 0 : i32
    %dma_start3A_15 = arith.constant 0 : i32
    %dma_start3A_16 = tpu.memref_slice %arg2[%dma_start3A_14, %dma_start3A_15] : memref<100000x128xf32, #tpu.memory_space<hbm>> -> memref<100000x128xf32, #tpu.memory_space<hbm>>
    tpu.enqueue_indirect_dma source(%dma_start3A_16 : memref<100000x128xf32, #tpu.memory_space<hbm>>) target(%dma_start3A_11 : memref<128x128xf32, #tpu.memory_space<vmem>>) offsets(%dma_start3A_13 : memref<128xi32, #tpu.memory_space<vmem>>) semaphore(%arg12 : memref<!tpu.dma_semaphore, #tpu.memory_space<semaphore_mem>>)
    %dma_start3A_17 = arith.constant 1 : i32
    %dma_start3A_18 = arith.constant 0 : i32
    %dma_start3A_19 = arith.constant 0 : i32
    %dma_start3A_20 = tpu.memref_slice %arg9[%dma_start3A_17, %dma_start3A_18, %dma_start3A_19] : memref<7x128x128xf32, #tpu.memory_space<vmem>> -> memref<1x128x128xf32, #tpu.memory_space<vmem>>
    %dma_start3A_21 = tpu.memref_squeeze %dma_start3A_20 : memref<1x128x128xf32, #tpu.memory_space<vmem>> -> memref<128x128xf32, #tpu.memory_space<vmem>>
    %dma_start3A_22 = arith.constant 128 : i32
    %dma_start3A_23 = tpu.memref_slice %arg7[%dma_start3A_22] : memref<512xi32, #tpu.memory_space<vmem>> -> memref<128xi32, #tpu.memory_space<vmem>>
    %dma_start3A_24 = arith.constant 0 : i32
    %dma_start3A_25 = arith.constant 0 : i32
    %dma_start3A_26 = tpu.memref_slice %arg2[%dma_start3A_24, %dma_start3A_25] : memref<100000x128xf32, #tpu.memory_space<hbm>> -> memref<100000x128xf32, #tpu.memory_space<hbm>>
    tpu.enqueue_indirect_dma source(%dma_start3A_26 : memref<100000x128xf32, #tpu.memory_space<hbm>>) target(%dma_start3A_21 : memref<128x128xf32, #tpu.memory_space<vmem>>) offsets(%dma_start3A_23 : memref<128xi32, #tpu.memory_space<vmem>>) semaphore(%arg13 : memref<!tpu.dma_semaphore, #tpu.memory_space<semaphore_mem>>)
    %dma_start3A_27 = arith.constant 2 : i32
    %dma_start3A_28 = arith.constant 0 : i32
    %dma_start3A_29 = arith.constant 0 : i32
    %dma_start3A_30 = tpu.memref_slice %arg9[%dma_start3A_27, %dma_start3A_28, %dma_start3A_29] : memref<7x128x128xf32, #tpu.memory_space<vmem>> -> memref<1x128x128xf32, #tpu.memory_space<vmem>>
    %dma_start3A_31 = tpu.memref_squeeze %dma_start3A_30 : memref<1x128x128xf32, #tpu.memory_space<vmem>> -> memref<128x128xf32, #tpu.memory_space<vmem>>
    %dma_start3A_32 = arith.constant 256 : i32
    %dma_start3A_33 = tpu.memref_slice %arg7[%dma_start3A_32] : memref<512xi32, #tpu.memory_space<vmem>> -> memref<128xi32, #tpu.memory_space<vmem>>
    %dma_start3A_34 = arith.constant 0 : i32
    %dma_start3A_35 = arith.constant 0 : i32
    %dma_start3A_36 = tpu.memref_slice %arg2[%dma_start3A_34, %dma_start3A_35] : memref<100000x128xf32, #tpu.memory_space<hbm>> -> memref<100000x128xf32, #tpu.memory_space<hbm>>
    tpu.enqueue_indirect_dma source(%dma_start3A_36 : memref<100000x128xf32, #tpu.memory_space<hbm>>) target(%dma_start3A_31 : memref<128x128xf32, #tpu.memory_space<vmem>>) offsets(%dma_start3A_33 : memref<128xi32, #tpu.memory_space<vmem>>) semaphore(%arg14 : memref<!tpu.dma_semaphore, #tpu.memory_space<semaphore_mem>>)
    %dma_start3A_37 = arith.constant 3 : i32
    %dma_start3A_38 = arith.constant 0 : i32
    %dma_start3A_39 = arith.constant 0 : i32
    %dma_start3A_40 = tpu.memref_slice %arg9[%dma_start3A_37, %dma_start3A_38, %dma_start3A_39] : memref<7x128x128xf32, #tpu.memory_space<vmem>> -> memref<1x128x128xf32, #tpu.memory_space<vmem>>
    %dma_start3A_41 = tpu.memref_squeeze %dma_start3A_40 : memref<1x128x128xf32, #tpu.memory_space<vmem>> -> memref<128x128xf32, #tpu.memory_space<vmem>>
    %dma_start3A_42 = arith.constant 384 : i32
    %dma_start3A_43 = tpu.memref_slice %arg7[%dma_start3A_42] : memref<512xi32, #tpu.memory_space<vmem>> -> memref<128xi32, #tpu.memory_space<vmem>>
    %dma_start3A_44 = arith.constant 0 : i32
    %dma_start3A_45 = arith.constant 0 : i32
    %dma_start3A_46 = tpu.memref_slice %arg2[%dma_start3A_44, %dma_start3A_45] : memref<100000x128xf32, #tpu.memory_space<hbm>> -> memref<100000x128xf32, #tpu.memory_space<hbm>>
    tpu.enqueue_indirect_dma source(%dma_start3A_46 : memref<100000x128xf32, #tpu.memory_space<hbm>>) target(%dma_start3A_41 : memref<128x128xf32, #tpu.memory_space<vmem>>) offsets(%dma_start3A_43 : memref<128xi32, #tpu.memory_space<vmem>>) semaphore(%arg15 : memref<!tpu.dma_semaphore, #tpu.memory_space<semaphore_mem>>)
    %dma_wait3A_47 = tpu.memref_slice %arg5[%mul3A_2] : memref<16384xi32, #tpu.memory_space<hbm>> -> memref<512xi32, #tpu.memory_space<hbm>>
    %dma_wait3A_48 = tpu.memref_slice %arg5[%mul3A_2] : memref<16384xi32, #tpu.memory_space<hbm>> -> memref<512xi32, #tpu.memory_space<hbm>>
    tpu.wait_dma2 semaphore(%arg11 : memref<!tpu.dma_semaphore, #tpu.memory_space<semaphore_mem>>) src(%dma_wait3A_48 : memref<512xi32, #tpu.memory_space<hbm>>) dst(%arg8 : memref<512xi32, #tpu.memory_space<vmem>>)
    %dma_start3A_49 = arith.constant 4 : i32
    %dma_start3A_50 = arith.constant 0 : i32
    %dma_start3A_51 = arith.constant 0 : i32
    %dma_start3A_52 = tpu.memref_slice %arg9[%dma_start3A_49, %dma_start3A_50, %dma_start3A_51] : memref<7x128x128xf32, #tpu.memory_space<vmem>> -> memref<1x128x128xf32, #tpu.memory_space<vmem>>
    %dma_start3A_53 = tpu.memref_squeeze %dma_start3A_52 : memref<1x128x128xf32, #tpu.memory_space<vmem>> -> memref<128x128xf32, #tpu.memory_space<vmem>>
    %dma_start3A_54 = arith.constant 0 : i32
    %dma_start3A_55 = tpu.memref_slice %arg8[%dma_start3A_54] : memref<512xi32, #tpu.memory_space<vmem>> -> memref<128xi32, #tpu.memory_space<vmem>>
    %dma_start3A_56 = arith.constant 0 : i32
    %dma_start3A_57 = arith.constant 0 : i32
    %dma_start3A_58 = tpu.memref_slice %arg3[%dma_start3A_56, %dma_start3A_57] : memref<100000x128xf32, #tpu.memory_space<hbm>> -> memref<100000x128xf32, #tpu.memory_space<hbm>>
    tpu.enqueue_indirect_dma source(%dma_start3A_58 : memref<100000x128xf32, #tpu.memory_space<hbm>>) target(%dma_start3A_53 : memref<128x128xf32, #tpu.memory_space<vmem>>) offsets(%dma_start3A_55 : memref<128xi32, #tpu.memory_space<vmem>>) semaphore(%arg16 : memref<!tpu.dma_semaphore, #tpu.memory_space<semaphore_mem>>)
    %dma_start3A_59 = arith.constant 5 : i32
    %dma_start3A_60 = arith.constant 0 : i32
    %dma_start3A_61 = arith.constant 0 : i32
    %dma_start3A_62 = tpu.memref_slice %arg9[%dma_start3A_59, %dma_start3A_60, %dma_start3A_61] : memref<7x128x128xf32, #tpu.memory_space<vmem>> -> memref<1x128x128xf32, #tpu.memory_space<vmem>>
    %dma_start3A_63 = tpu.memref_squeeze %dma_start3A_62 : memref<1x128x128xf32, #tpu.memory_space<vmem>> -> memref<128x128xf32, #tpu.memory_space<vmem>>
    %dma_start3A_64 = arith.constant 128 : i32
    %dma_start3A_65 = tpu.memref_slice %arg8[%dma_start3A_64] : memref<512xi32, #tpu.memory_space<vmem>> -> memref<128xi32, #tpu.memory_space<vmem>>
    %dma_start3A_66 = arith.constant 0 : i32
    %dma_start3A_67 = arith.constant 0 : i32
    %dma_start3A_68 = tpu.memref_slice %arg3[%dma_start3A_66, %dma_start3A_67] : memref<100000x128xf32, #tpu.memory_space<hbm>> -> memref<100000x128xf32, #tpu.memory_space<hbm>>
    tpu.enqueue_indirect_dma source(%dma_start3A_68 : memref<100000x128xf32, #tpu.memory_space<hbm>>) target(%dma_start3A_63 : memref<128x128xf32, #tpu.memory_space<vmem>>) offsets(%dma_start3A_65 : memref<128xi32, #tpu.memory_space<vmem>>) semaphore(%arg17 : memref<!tpu.dma_semaphore, #tpu.memory_space<semaphore_mem>>)
    %dma_start3A_69 = arith.constant 6 : i32
    %dma_start3A_70 = arith.constant 0 : i32
    %dma_start3A_71 = arith.constant 0 : i32
    %dma_start3A_72 = tpu.memref_slice %arg9[%dma_start3A_69, %dma_start3A_70, %dma_start3A_71] : memref<7x128x128xf32, #tpu.memory_space<vmem>> -> memref<1x128x128xf32, #tpu.memory_space<vmem>>
    %dma_start3A_73 = tpu.memref_squeeze %dma_start3A_72 : memref<1x128x128xf32, #tpu.memory_space<vmem>> -> memref<128x128xf32, #tpu.memory_space<vmem>>
    %dma_start3A_74 = arith.constant 256 : i32
    %dma_start3A_75 = tpu.memref_slice %arg8[%dma_start3A_74] : memref<512xi32, #tpu.memory_space<vmem>> -> memref<128xi32, #tpu.memory_space<vmem>>
    %dma_start3A_76 = arith.constant 0 : i32
    %dma_start3A_77 = arith.constant 0 : i32
    %dma_start3A_78 = tpu.memref_slice %arg3[%dma_start3A_76, %dma_start3A_77] : memref<100000x128xf32, #tpu.memory_space<hbm>> -> memref<100000x128xf32, #tpu.memory_space<hbm>>
    tpu.enqueue_indirect_dma source(%dma_start3A_78 : memref<100000x128xf32, #tpu.memory_space<hbm>>) target(%dma_start3A_73 : memref<128x128xf32, #tpu.memory_space<vmem>>) offsets(%dma_start3A_75 : memref<128xi32, #tpu.memory_space<vmem>>) semaphore(%arg18 : memref<!tpu.dma_semaphore, #tpu.memory_space<semaphore_mem>>)
    %dma_wait3A_79 = arith.constant 0 : i32
    %dma_wait3A_80 = arith.constant 0 : i32
    %dma_wait3A_81 = arith.constant 0 : i32
    %dma_wait3A_82 = tpu.memref_slice %arg9[%dma_wait3A_79, %dma_wait3A_80, %dma_wait3A_81] : memref<7x128x128xf32, #tpu.memory_space<vmem>> -> memref<1x128x128xf32, #tpu.memory_space<vmem>>
    %dma_wait3A_83 = tpu.memref_squeeze %dma_wait3A_82 : memref<1x128x128xf32, #tpu.memory_space<vmem>> -> memref<128x128xf32, #tpu.memory_space<vmem>>
    %dma_wait3A_84 = arith.constant 0 : i32
    %dma_wait3A_85 = tpu.memref_slice %arg7[%dma_wait3A_84] : memref<512xi32, #tpu.memory_space<vmem>> -> memref<128xi32, #tpu.memory_space<vmem>>
    %dma_wait3A_86 = arith.constant 0 : i32
    %dma_wait3A_87 = arith.constant 0 : i32
    %dma_wait3A_88 = tpu.memref_slice %arg2[%dma_wait3A_86, %dma_wait3A_87] : memref<100000x128xf32, #tpu.memory_space<hbm>> -> memref<100000x128xf32, #tpu.memory_space<hbm>>
    tpu.wait_indirect_dma semaphore(%arg12 : memref<!tpu.dma_semaphore, #tpu.memory_space<semaphore_mem>>) src(%dma_wait3A_88 : memref<100000x128xf32, #tpu.memory_space<hbm>>) dst(%dma_wait3A_83 : memref<128x128xf32, #tpu.memory_space<vmem>>)
    %add3A_89 = arith.constant 0 : i32
    %add3A_90 = arith.addi %mul3A_2, %add3A_89 : i32
    %dma_start3A_91 = arith.constant 0 : i32
    %dma_start3A_92 = arith.constant 0 : i32
    %dma_start3A_93 = arith.constant 0 : i32
    %dma_start3A_94 = arith.constant 0 : i32
    %dma_start3A_95 = tpu.memref_slice %arg9[%dma_start3A_91, %dma_start3A_93, %dma_start3A_94] : memref<7x128x128xf32, #tpu.memory_space<vmem>> -> memref<1x128x128xf32, #tpu.memory_space<vmem>>
    %dma_start3A_96 = tpu.memref_squeeze %dma_start3A_95 : memref<1x128x128xf32, #tpu.memory_space<vmem>> -> memref<128x128xf32, #tpu.memory_space<vmem>>
    %dma_start3A_97 = arith.constant 0 : i32
    %dma_start3A_98 = tpu.memref_slice %arg6[%add3A_90, %dma_start3A_92, %dma_start3A_97] : memref<16384x2x128xf32, #tpu.memory_space<hbm>> -> memref<128x1x128xf32, #tpu.memory_space<hbm>>
    %dma_start3A_99 = tpu.memref_squeeze %dma_start3A_98 : memref<128x1x128xf32, #tpu.memory_space<hbm>> -> memref<128x128xf32, #tpu.memory_space<hbm>>
    %dma_start3A_100 = arith.constant 0 : i32
    %dma_start3A_101 = tpu.memref_slice %arg6[%add3A_90, %dma_start3A_92, %dma_start3A_100] : memref<16384x2x128xf32, #tpu.memory_space<hbm>> -> memref<128x1x128xf32, #tpu.memory_space<hbm>>
    %dma_start3A_102 = tpu.memref_squeeze %dma_start3A_101 : memref<128x1x128xf32, #tpu.memory_space<hbm>> -> memref<128x128xf32, #tpu.memory_space<hbm>>
    %dma_start3A_103 = arith.constant 0 : i32
    %dma_start3A_104 = arith.constant 0 : i32
    %dma_start3A_105 = tpu.memref_slice %arg9[%dma_start3A_91, %dma_start3A_103, %dma_start3A_104] : memref<7x128x128xf32, #tpu.memory_space<vmem>> -> memref<1x128x128xf32, #tpu.memory_space<vmem>>
    %dma_start3A_106 = tpu.memref_squeeze %dma_start3A_105 : memref<1x128x128xf32, #tpu.memory_space<vmem>> -> memref<128x128xf32, #tpu.memory_space<vmem>>
    tpu.enqueue_dma source(%dma_start3A_106 : memref<128x128xf32, #tpu.memory_space<vmem>>) target(%dma_start3A_102 : memref<128x128xf32, #tpu.memory_space<hbm>>) target_semaphore(%arg20 : memref<!tpu.dma_semaphore, #tpu.memory_space<semaphore_mem>>)
    %dma_wait3A_107 = arith.constant 1 : i32
    %dma_wait3A_108 = arith.constant 0 : i32
    %dma_wait3A_109 = arith.constant 0 : i32
    %dma_wait3A_110 = tpu.memref_slice %arg9[%dma_wait3A_107, %dma_wait3A_108, %dma_wait3A_109] : memref<7x128x128xf32, #tpu.memory_space<vmem>> -> memref<1x128x128xf32, #tpu.memory_space<vmem>>
    %dma_wait3A_111 = tpu.memref_squeeze %dma_wait3A_110 : memref<1x128x128xf32, #tpu.memory_space<vmem>> -> memref<128x128xf32, #tpu.memory_space<vmem>>
    %dma_wait3A_112 = arith.constant 128 : i32
    %dma_wait3A_113 = tpu.memref_slice %arg7[%dma_wait3A_112] : memref<512xi32, #tpu.memory_space<vmem>> -> memref<128xi32, #tpu.memory_space<vmem>>
    %dma_wait3A_114 = arith.constant 0 : i32
    %dma_wait3A_115 = arith.constant 0 : i32
    %dma_wait3A_116 = tpu.memref_slice %arg2[%dma_wait3A_114, %dma_wait3A_115] : memref<100000x128xf32, #tpu.memory_space<hbm>> -> memref<100000x128xf32, #tpu.memory_space<hbm>>
    tpu.wait_indirect_dma semaphore(%arg13 : memref<!tpu.dma_semaphore, #tpu.memory_space<semaphore_mem>>) src(%dma_wait3A_116 : memref<100000x128xf32, #tpu.memory_space<hbm>>) dst(%dma_wait3A_111 : memref<128x128xf32, #tpu.memory_space<vmem>>)
    %add3A_117 = arith.constant 128 : i32
    %add3A_118 = arith.addi %mul3A_2, %add3A_117 : i32
    %dma_start3A_119 = arith.constant 1 : i32
    %dma_start3A_120 = arith.constant 0 : i32
    %dma_start3A_121 = arith.constant 0 : i32
    %dma_start3A_122 = arith.constant 0 : i32
    %dma_start3A_123 = tpu.memref_slice %arg9[%dma_start3A_119, %dma_start3A_121, %dma_start3A_122] : memref<7x128x128xf32, #tpu.memory_space<vmem>> -> memref<1x128x128xf32, #tpu.memory_space<vmem>>
    %dma_start3A_124 = tpu.memref_squeeze %dma_start3A_123 : memref<1x128x128xf32, #tpu.memory_space<vmem>> -> memref<128x128xf32, #tpu.memory_space<vmem>>
    %dma_start3A_125 = arith.constant 0 : i32
    %dma_start3A_126 = tpu.memref_slice %arg6[%add3A_118, %dma_start3A_120, %dma_start3A_125] : memref<16384x2x128xf32, #tpu.memory_space<hbm>> -> memref<128x1x128xf32, #tpu.memory_space<hbm>>
    %dma_start3A_127 = tpu.memref_squeeze %dma_start3A_126 : memref<128x1x128xf32, #tpu.memory_space<hbm>> -> memref<128x128xf32, #tpu.memory_space<hbm>>
    %dma_start3A_128 = arith.constant 0 : i32
    %dma_start3A_129 = tpu.memref_slice %arg6[%add3A_118, %dma_start3A_120, %dma_start3A_128] : memref<16384x2x128xf32, #tpu.memory_space<hbm>> -> memref<128x1x128xf32, #tpu.memory_space<hbm>>
    %dma_start3A_130 = tpu.memref_squeeze %dma_start3A_129 : memref<128x1x128xf32, #tpu.memory_space<hbm>> -> memref<128x128xf32, #tpu.memory_space<hbm>>
    %dma_start3A_131 = arith.constant 0 : i32
    %dma_start3A_132 = arith.constant 0 : i32
    %dma_start3A_133 = tpu.memref_slice %arg9[%dma_start3A_119, %dma_start3A_131, %dma_start3A_132] : memref<7x128x128xf32, #tpu.memory_space<vmem>> -> memref<1x128x128xf32, #tpu.memory_space<vmem>>
    %dma_start3A_134 = tpu.memref_squeeze %dma_start3A_133 : memref<1x128x128xf32, #tpu.memory_space<vmem>> -> memref<128x128xf32, #tpu.memory_space<vmem>>
    tpu.enqueue_dma source(%dma_start3A_134 : memref<128x128xf32, #tpu.memory_space<vmem>>) target(%dma_start3A_130 : memref<128x128xf32, #tpu.memory_space<hbm>>) target_semaphore(%arg21 : memref<!tpu.dma_semaphore, #tpu.memory_space<semaphore_mem>>)
    %dma_wait3A_135 = arith.constant 2 : i32
    %dma_wait3A_136 = arith.constant 0 : i32
    %dma_wait3A_137 = arith.constant 0 : i32
    %dma_wait3A_138 = tpu.memref_slice %arg9[%dma_wait3A_135, %dma_wait3A_136, %dma_wait3A_137] : memref<7x128x128xf32, #tpu.memory_space<vmem>> -> memref<1x128x128xf32, #tpu.memory_space<vmem>>
    %dma_wait3A_139 = tpu.memref_squeeze %dma_wait3A_138 : memref<1x128x128xf32, #tpu.memory_space<vmem>> -> memref<128x128xf32, #tpu.memory_space<vmem>>
    %dma_wait3A_140 = arith.constant 256 : i32
    %dma_wait3A_141 = tpu.memref_slice %arg7[%dma_wait3A_140] : memref<512xi32, #tpu.memory_space<vmem>> -> memref<128xi32, #tpu.memory_space<vmem>>
    %dma_wait3A_142 = arith.constant 0 : i32
    %dma_wait3A_143 = arith.constant 0 : i32
    %dma_wait3A_144 = tpu.memref_slice %arg2[%dma_wait3A_142, %dma_wait3A_143] : memref<100000x128xf32, #tpu.memory_space<hbm>> -> memref<100000x128xf32, #tpu.memory_space<hbm>>
    tpu.wait_indirect_dma semaphore(%arg14 : memref<!tpu.dma_semaphore, #tpu.memory_space<semaphore_mem>>) src(%dma_wait3A_144 : memref<100000x128xf32, #tpu.memory_space<hbm>>) dst(%dma_wait3A_139 : memref<128x128xf32, #tpu.memory_space<vmem>>)
    %add3A_145 = arith.constant 256 : i32
    %add3A_146 = arith.addi %mul3A_2, %add3A_145 : i32
    %dma_start3A_147 = arith.constant 2 : i32
    %dma_start3A_148 = arith.constant 0 : i32
    %dma_start3A_149 = arith.constant 0 : i32
    %dma_start3A_150 = arith.constant 0 : i32
    %dma_start3A_151 = tpu.memref_slice %arg9[%dma_start3A_147, %dma_start3A_149, %dma_start3A_150] : memref<7x128x128xf32, #tpu.memory_space<vmem>> -> memref<1x128x128xf32, #tpu.memory_space<vmem>>
    %dma_start3A_152 = tpu.memref_squeeze %dma_start3A_151 : memref<1x128x128xf32, #tpu.memory_space<vmem>> -> memref<128x128xf32, #tpu.memory_space<vmem>>
    %dma_start3A_153 = arith.constant 0 : i32
    %dma_start3A_154 = tpu.memref_slice %arg6[%add3A_146, %dma_start3A_148, %dma_start3A_153] : memref<16384x2x128xf32, #tpu.memory_space<hbm>> -> memref<128x1x128xf32, #tpu.memory_space<hbm>>
    %dma_start3A_155 = tpu.memref_squeeze %dma_start3A_154 : memref<128x1x128xf32, #tpu.memory_space<hbm>> -> memref<128x128xf32, #tpu.memory_space<hbm>>
    %dma_start3A_156 = arith.constant 0 : i32
    %dma_start3A_157 = tpu.memref_slice %arg6[%add3A_146, %dma_start3A_148, %dma_start3A_156] : memref<16384x2x128xf32, #tpu.memory_space<hbm>> -> memref<128x1x128xf32, #tpu.memory_space<hbm>>
    %dma_start3A_158 = tpu.memref_squeeze %dma_start3A_157 : memref<128x1x128xf32, #tpu.memory_space<hbm>> -> memref<128x128xf32, #tpu.memory_space<hbm>>
    %dma_start3A_159 = arith.constant 0 : i32
    %dma_start3A_160 = arith.constant 0 : i32
    %dma_start3A_161 = tpu.memref_slice %arg9[%dma_start3A_147, %dma_start3A_159, %dma_start3A_160] : memref<7x128x128xf32, #tpu.memory_space<vmem>> -> memref<1x128x128xf32, #tpu.memory_space<vmem>>
    %dma_start3A_162 = tpu.memref_squeeze %dma_start3A_161 : memref<1x128x128xf32, #tpu.memory_space<vmem>> -> memref<128x128xf32, #tpu.memory_space<vmem>>
    tpu.enqueue_dma source(%dma_start3A_162 : memref<128x128xf32, #tpu.memory_space<vmem>>) target(%dma_start3A_158 : memref<128x128xf32, #tpu.memory_space<hbm>>) target_semaphore(%arg22 : memref<!tpu.dma_semaphore, #tpu.memory_space<semaphore_mem>>)
    %dma_wait3A_163 = arith.constant 3 : i32
    %dma_wait3A_164 = arith.constant 0 : i32
    %dma_wait3A_165 = arith.constant 0 : i32
    %dma_wait3A_166 = tpu.memref_slice %arg9[%dma_wait3A_163, %dma_wait3A_164, %dma_wait3A_165] : memref<7x128x128xf32, #tpu.memory_space<vmem>> -> memref<1x128x128xf32, #tpu.memory_space<vmem>>
    %dma_wait3A_167 = tpu.memref_squeeze %dma_wait3A_166 : memref<1x128x128xf32, #tpu.memory_space<vmem>> -> memref<128x128xf32, #tpu.memory_space<vmem>>
    %dma_wait3A_168 = arith.constant 384 : i32
    %dma_wait3A_169 = tpu.memref_slice %arg7[%dma_wait3A_168] : memref<512xi32, #tpu.memory_space<vmem>> -> memref<128xi32, #tpu.memory_space<vmem>>
    %dma_wait3A_170 = arith.constant 0 : i32
    %dma_wait3A_171 = arith.constant 0 : i32
    %dma_wait3A_172 = tpu.memref_slice %arg2[%dma_wait3A_170, %dma_wait3A_171] : memref<100000x128xf32, #tpu.memory_space<hbm>> -> memref<100000x128xf32, #tpu.memory_space<hbm>>
    tpu.wait_indirect_dma semaphore(%arg15 : memref<!tpu.dma_semaphore, #tpu.memory_space<semaphore_mem>>) src(%dma_wait3A_172 : memref<100000x128xf32, #tpu.memory_space<hbm>>) dst(%dma_wait3A_167 : memref<128x128xf32, #tpu.memory_space<vmem>>)
    %add3A_173 = arith.constant 384 : i32
    %add3A_174 = arith.addi %mul3A_2, %add3A_173 : i32
    %dma_start3A_175 = arith.constant 3 : i32
    %dma_start3A_176 = arith.constant 0 : i32
    %dma_start3A_177 = arith.constant 0 : i32
    %dma_start3A_178 = arith.constant 0 : i32
    %dma_start3A_179 = tpu.memref_slice %arg9[%dma_start3A_175, %dma_start3A_177, %dma_start3A_178] : memref<7x128x128xf32, #tpu.memory_space<vmem>> -> memref<1x128x128xf32, #tpu.memory_space<vmem>>
    %dma_start3A_180 = tpu.memref_squeeze %dma_start3A_179 : memref<1x128x128xf32, #tpu.memory_space<vmem>> -> memref<128x128xf32, #tpu.memory_space<vmem>>
    %dma_start3A_181 = arith.constant 0 : i32
    %dma_start3A_182 = tpu.memref_slice %arg6[%add3A_174, %dma_start3A_176, %dma_start3A_181] : memref<16384x2x128xf32, #tpu.memory_space<hbm>> -> memref<128x1x128xf32, #tpu.memory_space<hbm>>
    %dma_start3A_183 = tpu.memref_squeeze %dma_start3A_182 : memref<128x1x128xf32, #tpu.memory_space<hbm>> -> memref<128x128xf32, #tpu.memory_space<hbm>>
    %dma_start3A_184 = arith.constant 0 : i32
    %dma_start3A_185 = tpu.memref_slice %arg6[%add3A_174, %dma_start3A_176, %dma_start3A_184] : memref<16384x2x128xf32, #tpu.memory_space<hbm>> -> memref<128x1x128xf32, #tpu.memory_space<hbm>>
    %dma_start3A_186 = tpu.memref_squeeze %dma_start3A_185 : memref<128x1x128xf32, #tpu.memory_space<hbm>> -> memref<128x128xf32, #tpu.memory_space<hbm>>
    %dma_start3A_187 = arith.constant 0 : i32
    %dma_start3A_188 = arith.constant 0 : i32
    %dma_start3A_189 = tpu.memref_slice %arg9[%dma_start3A_175, %dma_start3A_187, %dma_start3A_188] : memref<7x128x128xf32, #tpu.memory_space<vmem>> -> memref<1x128x128xf32, #tpu.memory_space<vmem>>
    %dma_start3A_190 = tpu.memref_squeeze %dma_start3A_189 : memref<1x128x128xf32, #tpu.memory_space<vmem>> -> memref<128x128xf32, #tpu.memory_space<vmem>>
    tpu.enqueue_dma source(%dma_start3A_190 : memref<128x128xf32, #tpu.memory_space<vmem>>) target(%dma_start3A_186 : memref<128x128xf32, #tpu.memory_space<hbm>>) target_semaphore(%arg23 : memref<!tpu.dma_semaphore, #tpu.memory_space<semaphore_mem>>)
    %dma_wait3A_191 = arith.constant 4 : i32
    %dma_wait3A_192 = arith.constant 0 : i32
    %dma_wait3A_193 = arith.constant 0 : i32
    %dma_wait3A_194 = tpu.memref_slice %arg9[%dma_wait3A_191, %dma_wait3A_192, %dma_wait3A_193] : memref<7x128x128xf32, #tpu.memory_space<vmem>> -> memref<1x128x128xf32, #tpu.memory_space<vmem>>
    %dma_wait3A_195 = tpu.memref_squeeze %dma_wait3A_194 : memref<1x128x128xf32, #tpu.memory_space<vmem>> -> memref<128x128xf32, #tpu.memory_space<vmem>>
    %dma_wait3A_196 = arith.constant 0 : i32
    %dma_wait3A_197 = tpu.memref_slice %arg8[%dma_wait3A_196] : memref<512xi32, #tpu.memory_space<vmem>> -> memref<128xi32, #tpu.memory_space<vmem>>
    %dma_wait3A_198 = arith.constant 0 : i32
    %dma_wait3A_199 = arith.constant 0 : i32
    %dma_wait3A_200 = tpu.memref_slice %arg3[%dma_wait3A_198, %dma_wait3A_199] : memref<100000x128xf32, #tpu.memory_space<hbm>> -> memref<100000x128xf32, #tpu.memory_space<hbm>>
    tpu.wait_indirect_dma semaphore(%arg16 : memref<!tpu.dma_semaphore, #tpu.memory_space<semaphore_mem>>) src(%dma_wait3A_200 : memref<100000x128xf32, #tpu.memory_space<hbm>>) dst(%dma_wait3A_195 : memref<128x128xf32, #tpu.memory_space<vmem>>)
    %add3A_201 = arith.constant 0 : i32
    %add3A_202 = arith.addi %mul3A_2, %add3A_201 : i32
    %dma_start3A_203 = arith.constant 4 : i32
    %dma_start3A_204 = arith.constant 1 : i32
    %dma_start3A_205 = arith.constant 0 : i32
    %dma_start3A_206 = arith.constant 0 : i32
    %dma_start3A_207 = tpu.memref_slice %arg9[%dma_start3A_203, %dma_start3A_205, %dma_start3A_206] : memref<7x128x128xf32, #tpu.memory_space<vmem>> -> memref<1x128x128xf32, #tpu.memory_space<vmem>>
    %dma_start3A_208 = tpu.memref_squeeze %dma_start3A_207 : memref<1x128x128xf32, #tpu.memory_space<vmem>> -> memref<128x128xf32, #tpu.memory_space<vmem>>
    %dma_start3A_209 = arith.constant 0 : i32
    %dma_start3A_210 = tpu.memref_slice %arg6[%add3A_202, %dma_start3A_204, %dma_start3A_209] : memref<16384x2x128xf32, #tpu.memory_space<hbm>> -> memref<128x1x128xf32, #tpu.memory_space<hbm>>
    %dma_start3A_211 = tpu.memref_squeeze %dma_start3A_210 : memref<128x1x128xf32, #tpu.memory_space<hbm>> -> memref<128x128xf32, #tpu.memory_space<hbm>>
    %dma_start3A_212 = arith.constant 0 : i32
    %dma_start3A_213 = tpu.memref_slice %arg6[%add3A_202, %dma_start3A_204, %dma_start3A_212] : memref<16384x2x128xf32, #tpu.memory_space<hbm>> -> memref<128x1x128xf32, #tpu.memory_space<hbm>>
    %dma_start3A_214 = tpu.memref_squeeze %dma_start3A_213 : memref<128x1x128xf32, #tpu.memory_space<hbm>> -> memref<128x128xf32, #tpu.memory_space<hbm>>
    %dma_start3A_215 = arith.constant 0 : i32
    %dma_start3A_216 = arith.constant 0 : i32
    %dma_start3A_217 = tpu.memref_slice %arg9[%dma_start3A_203, %dma_start3A_215, %dma_start3A_216] : memref<7x128x128xf32, #tpu.memory_space<vmem>> -> memref<1x128x128xf32, #tpu.memory_space<vmem>>
    %dma_start3A_218 = tpu.memref_squeeze %dma_start3A_217 : memref<1x128x128xf32, #tpu.memory_space<vmem>> -> memref<128x128xf32, #tpu.memory_space<vmem>>
    tpu.enqueue_dma source(%dma_start3A_218 : memref<128x128xf32, #tpu.memory_space<vmem>>) target(%dma_start3A_214 : memref<128x128xf32, #tpu.memory_space<hbm>>) target_semaphore(%arg24 : memref<!tpu.dma_semaphore, #tpu.memory_space<semaphore_mem>>)
    %dma_wait3A_219 = arith.constant 5 : i32
    %dma_wait3A_220 = arith.constant 0 : i32
    %dma_wait3A_221 = arith.constant 0 : i32
    %dma_wait3A_222 = tpu.memref_slice %arg9[%dma_wait3A_219, %dma_wait3A_220, %dma_wait3A_221] : memref<7x128x128xf32, #tpu.memory_space<vmem>> -> memref<1x128x128xf32, #tpu.memory_space<vmem>>
    %dma_wait3A_223 = tpu.memref_squeeze %dma_wait3A_222 : memref<1x128x128xf32, #tpu.memory_space<vmem>> -> memref<128x128xf32, #tpu.memory_space<vmem>>
    %dma_wait3A_224 = arith.constant 128 : i32
    %dma_wait3A_225 = tpu.memref_slice %arg8[%dma_wait3A_224] : memref<512xi32, #tpu.memory_space<vmem>> -> memref<128xi32, #tpu.memory_space<vmem>>
    %dma_wait3A_226 = arith.constant 0 : i32
    %dma_wait3A_227 = arith.constant 0 : i32
    %dma_wait3A_228 = tpu.memref_slice %arg3[%dma_wait3A_226, %dma_wait3A_227] : memref<100000x128xf32, #tpu.memory_space<hbm>> -> memref<100000x128xf32, #tpu.memory_space<hbm>>
    tpu.wait_indirect_dma semaphore(%arg17 : memref<!tpu.dma_semaphore, #tpu.memory_space<semaphore_mem>>) src(%dma_wait3A_228 : memref<100000x128xf32, #tpu.memory_space<hbm>>) dst(%dma_wait3A_223 : memref<128x128xf32, #tpu.memory_space<vmem>>)
    %add3A_229 = arith.constant 128 : i32
    %add3A_230 = arith.addi %mul3A_2, %add3A_229 : i32
    %dma_start3A_231 = arith.constant 5 : i32
    %dma_start3A_232 = arith.constant 1 : i32
    %dma_start3A_233 = arith.constant 0 : i32
    %dma_start3A_234 = arith.constant 0 : i32
    %dma_start3A_235 = tpu.memref_slice %arg9[%dma_start3A_231, %dma_start3A_233, %dma_start3A_234] : memref<7x128x128xf32, #tpu.memory_space<vmem>> -> memref<1x128x128xf32, #tpu.memory_space<vmem>>
    %dma_start3A_236 = tpu.memref_squeeze %dma_start3A_235 : memref<1x128x128xf32, #tpu.memory_space<vmem>> -> memref<128x128xf32, #tpu.memory_space<vmem>>
    %dma_start3A_237 = arith.constant 0 : i32
    %dma_start3A_238 = tpu.memref_slice %arg6[%add3A_230, %dma_start3A_232, %dma_start3A_237] : memref<16384x2x128xf32, #tpu.memory_space<hbm>> -> memref<128x1x128xf32, #tpu.memory_space<hbm>>
    %dma_start3A_239 = tpu.memref_squeeze %dma_start3A_238 : memref<128x1x128xf32, #tpu.memory_space<hbm>> -> memref<128x128xf32, #tpu.memory_space<hbm>>
    %dma_start3A_240 = arith.constant 0 : i32
    %dma_start3A_241 = tpu.memref_slice %arg6[%add3A_230, %dma_start3A_232, %dma_start3A_240] : memref<16384x2x128xf32, #tpu.memory_space<hbm>> -> memref<128x1x128xf32, #tpu.memory_space<hbm>>
    %dma_start3A_242 = tpu.memref_squeeze %dma_start3A_241 : memref<128x1x128xf32, #tpu.memory_space<hbm>> -> memref<128x128xf32, #tpu.memory_space<hbm>>
    %dma_start3A_243 = arith.constant 0 : i32
    %dma_start3A_244 = arith.constant 0 : i32
    %dma_start3A_245 = tpu.memref_slice %arg9[%dma_start3A_231, %dma_start3A_243, %dma_start3A_244] : memref<7x128x128xf32, #tpu.memory_space<vmem>> -> memref<1x128x128xf32, #tpu.memory_space<vmem>>
    %dma_start3A_246 = tpu.memref_squeeze %dma_start3A_245 : memref<1x128x128xf32, #tpu.memory_space<vmem>> -> memref<128x128xf32, #tpu.memory_space<vmem>>
    tpu.enqueue_dma source(%dma_start3A_246 : memref<128x128xf32, #tpu.memory_space<vmem>>) target(%dma_start3A_242 : memref<128x128xf32, #tpu.memory_space<hbm>>) target_semaphore(%arg25 : memref<!tpu.dma_semaphore, #tpu.memory_space<semaphore_mem>>)
    %dma_wait3A_247 = arith.constant 6 : i32
    %dma_wait3A_248 = arith.constant 0 : i32
    %dma_wait3A_249 = arith.constant 0 : i32
    %dma_wait3A_250 = tpu.memref_slice %arg9[%dma_wait3A_247, %dma_wait3A_248, %dma_wait3A_249] : memref<7x128x128xf32, #tpu.memory_space<vmem>> -> memref<1x128x128xf32, #tpu.memory_space<vmem>>
    %dma_wait3A_251 = tpu.memref_squeeze %dma_wait3A_250 : memref<1x128x128xf32, #tpu.memory_space<vmem>> -> memref<128x128xf32, #tpu.memory_space<vmem>>
    %dma_wait3A_252 = arith.constant 256 : i32
    %dma_wait3A_253 = tpu.memref_slice %arg8[%dma_wait3A_252] : memref<512xi32, #tpu.memory_space<vmem>> -> memref<128xi32, #tpu.memory_space<vmem>>
    %dma_wait3A_254 = arith.constant 0 : i32
    %dma_wait3A_255 = arith.constant 0 : i32
    %dma_wait3A_256 = tpu.memref_slice %arg3[%dma_wait3A_254, %dma_wait3A_255] : memref<100000x128xf32, #tpu.memory_space<hbm>> -> memref<100000x128xf32, #tpu.memory_space<hbm>>
    tpu.wait_indirect_dma semaphore(%arg18 : memref<!tpu.dma_semaphore, #tpu.memory_space<semaphore_mem>>) src(%dma_wait3A_256 : memref<100000x128xf32, #tpu.memory_space<hbm>>) dst(%dma_wait3A_251 : memref<128x128xf32, #tpu.memory_space<vmem>>)
    %add3A_257 = arith.constant 256 : i32
    %add3A_258 = arith.addi %mul3A_2, %add3A_257 : i32
    %dma_start3A_259 = arith.constant 6 : i32
    %dma_start3A_260 = arith.constant 1 : i32
    %dma_start3A_261 = arith.constant 0 : i32
    %dma_start3A_262 = arith.constant 0 : i32
    %dma_start3A_263 = tpu.memref_slice %arg9[%dma_start3A_259, %dma_start3A_261, %dma_start3A_262] : memref<7x128x128xf32, #tpu.memory_space<vmem>> -> memref<1x128x128xf32, #tpu.memory_space<vmem>>
    %dma_start3A_264 = tpu.memref_squeeze %dma_start3A_263 : memref<1x128x128xf32, #tpu.memory_space<vmem>> -> memref<128x128xf32, #tpu.memory_space<vmem>>
    %dma_start3A_265 = arith.constant 0 : i32
    %dma_start3A_266 = tpu.memref_slice %arg6[%add3A_258, %dma_start3A_260, %dma_start3A_265] : memref<16384x2x128xf32, #tpu.memory_space<hbm>> -> memref<128x1x128xf32, #tpu.memory_space<hbm>>
    %dma_start3A_267 = tpu.memref_squeeze %dma_start3A_266 : memref<128x1x128xf32, #tpu.memory_space<hbm>> -> memref<128x128xf32, #tpu.memory_space<hbm>>
    %dma_start3A_268 = arith.constant 0 : i32
    %dma_start3A_269 = tpu.memref_slice %arg6[%add3A_258, %dma_start3A_260, %dma_start3A_268] : memref<16384x2x128xf32, #tpu.memory_space<hbm>> -> memref<128x1x128xf32, #tpu.memory_space<hbm>>
    %dma_start3A_270 = tpu.memref_squeeze %dma_start3A_269 : memref<128x1x128xf32, #tpu.memory_space<hbm>> -> memref<128x128xf32, #tpu.memory_space<hbm>>
    %dma_start3A_271 = arith.constant 0 : i32
    %dma_start3A_272 = arith.constant 0 : i32
    %dma_start3A_273 = tpu.memref_slice %arg9[%dma_start3A_259, %dma_start3A_271, %dma_start3A_272] : memref<7x128x128xf32, #tpu.memory_space<vmem>> -> memref<1x128x128xf32, #tpu.memory_space<vmem>>
    %dma_start3A_274 = tpu.memref_squeeze %dma_start3A_273 : memref<1x128x128xf32, #tpu.memory_space<vmem>> -> memref<128x128xf32, #tpu.memory_space<vmem>>
    tpu.enqueue_dma source(%dma_start3A_274 : memref<128x128xf32, #tpu.memory_space<vmem>>) target(%dma_start3A_270 : memref<128x128xf32, #tpu.memory_space<hbm>>) target_semaphore(%arg26 : memref<!tpu.dma_semaphore, #tpu.memory_space<semaphore_mem>>)
    %dma_wait3A_275 = arith.constant 0 : i32
    %dma_wait3A_276 = arith.constant 0 : i32
    %dma_wait3A_277 = arith.constant 0 : i32
    %dma_wait3A_278 = arith.constant 0 : i32
    %dma_wait3A_279 = tpu.memref_slice %arg9[%dma_wait3A_275, %dma_wait3A_277, %dma_wait3A_278] : memref<7x128x128xf32, #tpu.memory_space<vmem>> -> memref<1x128x128xf32, #tpu.memory_space<vmem>>
    %dma_wait3A_280 = tpu.memref_squeeze %dma_wait3A_279 : memref<1x128x128xf32, #tpu.memory_space<vmem>> -> memref<128x128xf32, #tpu.memory_space<vmem>>
    %dma_wait3A_281 = arith.constant 0 : i32
    %dma_wait3A_282 = tpu.memref_slice %arg6[%add3A_90, %dma_wait3A_276, %dma_wait3A_281] : memref<16384x2x128xf32, #tpu.memory_space<hbm>> -> memref<128x1x128xf32, #tpu.memory_space<hbm>>
    %dma_wait3A_283 = tpu.memref_squeeze %dma_wait3A_282 : memref<128x1x128xf32, #tpu.memory_space<hbm>> -> memref<128x128xf32, #tpu.memory_space<hbm>>
    %dma_wait3A_284 = arith.constant 0 : i32
    %dma_wait3A_285 = tpu.memref_slice %arg6[%add3A_90, %dma_wait3A_276, %dma_wait3A_284] : memref<16384x2x128xf32, #tpu.memory_space<hbm>> -> memref<128x1x128xf32, #tpu.memory_space<hbm>>
    %dma_wait3A_286 = tpu.memref_squeeze %dma_wait3A_285 : memref<128x1x128xf32, #tpu.memory_space<hbm>> -> memref<128x128xf32, #tpu.memory_space<hbm>>
    %dma_wait3A_287 = arith.constant 0 : i32
    %dma_wait3A_288 = arith.constant 0 : i32
    %dma_wait3A_289 = tpu.memref_slice %arg9[%dma_wait3A_275, %dma_wait3A_287, %dma_wait3A_288] : memref<7x128x128xf32, #tpu.memory_space<vmem>> -> memref<1x128x128xf32, #tpu.memory_space<vmem>>
    %dma_wait3A_290 = tpu.memref_squeeze %dma_wait3A_289 : memref<1x128x128xf32, #tpu.memory_space<vmem>> -> memref<128x128xf32, #tpu.memory_space<vmem>>
    tpu.wait_dma2 semaphore(%arg20 : memref<!tpu.dma_semaphore, #tpu.memory_space<semaphore_mem>>) src(%dma_wait3A_290 : memref<128x128xf32, #tpu.memory_space<vmem>>) dst(%dma_wait3A_286 : memref<128x128xf32, #tpu.memory_space<hbm>>)
    %dma_start3A_291 = arith.constant 0 : i32
    %dma_start3A_292 = arith.constant 0 : i32
    %dma_start3A_293 = arith.constant 0 : i32
    %dma_start3A_294 = tpu.memref_slice %arg9[%dma_start3A_291, %dma_start3A_292, %dma_start3A_293] : memref<7x128x128xf32, #tpu.memory_space<vmem>> -> memref<1x128x128xf32, #tpu.memory_space<vmem>>
    %dma_start3A_295 = tpu.memref_squeeze %dma_start3A_294 : memref<1x128x128xf32, #tpu.memory_space<vmem>> -> memref<128x128xf32, #tpu.memory_space<vmem>>
    %dma_start3A_296 = arith.constant 384 : i32
    %dma_start3A_297 = tpu.memref_slice %arg8[%dma_start3A_296] : memref<512xi32, #tpu.memory_space<vmem>> -> memref<128xi32, #tpu.memory_space<vmem>>
    %dma_start3A_298 = arith.constant 0 : i32
    %dma_start3A_299 = arith.constant 0 : i32
    %dma_start3A_300 = tpu.memref_slice %arg3[%dma_start3A_298, %dma_start3A_299] : memref<100000x128xf32, #tpu.memory_space<hbm>> -> memref<100000x128xf32, #tpu.memory_space<hbm>>
    tpu.enqueue_indirect_dma source(%dma_start3A_300 : memref<100000x128xf32, #tpu.memory_space<hbm>>) target(%dma_start3A_295 : memref<128x128xf32, #tpu.memory_space<vmem>>) offsets(%dma_start3A_297 : memref<128xi32, #tpu.memory_space<vmem>>) semaphore(%arg19 : memref<!tpu.dma_semaphore, #tpu.memory_space<semaphore_mem>>)
    %dma_wait3A_301 = arith.constant 0 : i32
    %dma_wait3A_302 = arith.constant 0 : i32
    %dma_wait3A_303 = arith.constant 0 : i32
    %dma_wait3A_304 = tpu.memref_slice %arg9[%dma_wait3A_301, %dma_wait3A_302, %dma_wait3A_303] : memref<7x128x128xf32, #tpu.memory_space<vmem>> -> memref<1x128x128xf32, #tpu.memory_space<vmem>>
    %dma_wait3A_305 = tpu.memref_squeeze %dma_wait3A_304 : memref<1x128x128xf32, #tpu.memory_space<vmem>> -> memref<128x128xf32, #tpu.memory_space<vmem>>
    %dma_wait3A_306 = arith.constant 384 : i32
    %dma_wait3A_307 = tpu.memref_slice %arg8[%dma_wait3A_306] : memref<512xi32, #tpu.memory_space<vmem>> -> memref<128xi32, #tpu.memory_space<vmem>>
    %dma_wait3A_308 = arith.constant 0 : i32
    %dma_wait3A_309 = arith.constant 0 : i32
    %dma_wait3A_310 = tpu.memref_slice %arg3[%dma_wait3A_308, %dma_wait3A_309] : memref<100000x128xf32, #tpu.memory_space<hbm>> -> memref<100000x128xf32, #tpu.memory_space<hbm>>
    tpu.wait_indirect_dma semaphore(%arg19 : memref<!tpu.dma_semaphore, #tpu.memory_space<semaphore_mem>>) src(%dma_wait3A_310 : memref<100000x128xf32, #tpu.memory_space<hbm>>) dst(%dma_wait3A_305 : memref<128x128xf32, #tpu.memory_space<vmem>>)
    %add3A_311 = arith.constant 384 : i32
    %add3A_312 = arith.addi %mul3A_2, %add3A_311 : i32
    %dma_start3A_313 = arith.constant 0 : i32
    %dma_start3A_314 = arith.constant 1 : i32
    %dma_start3A_315 = arith.constant 0 : i32
    %dma_start3A_316 = arith.constant 0 : i32
    %dma_start3A_317 = tpu.memref_slice %arg9[%dma_start3A_313, %dma_start3A_315, %dma_start3A_316] : memref<7x128x128xf32, #tpu.memory_space<vmem>> -> memref<1x128x128xf32, #tpu.memory_space<vmem>>
    %dma_start3A_318 = tpu.memref_squeeze %dma_start3A_317 : memref<1x128x128xf32, #tpu.memory_space<vmem>> -> memref<128x128xf32, #tpu.memory_space<vmem>>
    %dma_start3A_319 = arith.constant 0 : i32
    %dma_start3A_320 = tpu.memref_slice %arg6[%add3A_312, %dma_start3A_314, %dma_start3A_319] : memref<16384x2x128xf32, #tpu.memory_space<hbm>> -> memref<128x1x128xf32, #tpu.memory_space<hbm>>
    %dma_start3A_321 = tpu.memref_squeeze %dma_start3A_320 : memref<128x1x128xf32, #tpu.memory_space<hbm>> -> memref<128x128xf32, #tpu.memory_space<hbm>>
    %dma_start3A_322 = arith.constant 0 : i32
    %dma_start3A_323 = tpu.memref_slice %arg6[%add3A_312, %dma_start3A_314, %dma_start3A_322] : memref<16384x2x128xf32, #tpu.memory_space<hbm>> -> memref<128x1x128xf32, #tpu.memory_space<hbm>>
    %dma_start3A_324 = tpu.memref_squeeze %dma_start3A_323 : memref<128x1x128xf32, #tpu.memory_space<hbm>> -> memref<128x128xf32, #tpu.memory_space<hbm>>
    %dma_start3A_325 = arith.constant 0 : i32
    %dma_start3A_326 = arith.constant 0 : i32
    %dma_start3A_327 = tpu.memref_slice %arg9[%dma_start3A_313, %dma_start3A_325, %dma_start3A_326] : memref<7x128x128xf32, #tpu.memory_space<vmem>> -> memref<1x128x128xf32, #tpu.memory_space<vmem>>
    %dma_start3A_328 = tpu.memref_squeeze %dma_start3A_327 : memref<1x128x128xf32, #tpu.memory_space<vmem>> -> memref<128x128xf32, #tpu.memory_space<vmem>>
    tpu.enqueue_dma source(%dma_start3A_328 : memref<128x128xf32, #tpu.memory_space<vmem>>) target(%dma_start3A_324 : memref<128x128xf32, #tpu.memory_space<hbm>>) target_semaphore(%arg27 : memref<!tpu.dma_semaphore, #tpu.memory_space<semaphore_mem>>)
    %dma_wait3A_329 = arith.constant 1 : i32
    %dma_wait3A_330 = arith.constant 0 : i32
    %dma_wait3A_331 = arith.constant 0 : i32
    %dma_wait3A_332 = arith.constant 0 : i32
    %dma_wait3A_333 = tpu.memref_slice %arg9[%dma_wait3A_329, %dma_wait3A_331, %dma_wait3A_332] : memref<7x128x128xf32, #tpu.memory_space<vmem>> -> memref<1x128x128xf32, #tpu.memory_space<vmem>>
    %dma_wait3A_334 = tpu.memref_squeeze %dma_wait3A_333 : memref<1x128x128xf32, #tpu.memory_space<vmem>> -> memref<128x128xf32, #tpu.memory_space<vmem>>
    %dma_wait3A_335 = arith.constant 0 : i32
    %dma_wait3A_336 = tpu.memref_slice %arg6[%add3A_118, %dma_wait3A_330, %dma_wait3A_335] : memref<16384x2x128xf32, #tpu.memory_space<hbm>> -> memref<128x1x128xf32, #tpu.memory_space<hbm>>
    %dma_wait3A_337 = tpu.memref_squeeze %dma_wait3A_336 : memref<128x1x128xf32, #tpu.memory_space<hbm>> -> memref<128x128xf32, #tpu.memory_space<hbm>>
    %dma_wait3A_338 = arith.constant 0 : i32
    %dma_wait3A_339 = tpu.memref_slice %arg6[%add3A_118, %dma_wait3A_330, %dma_wait3A_338] : memref<16384x2x128xf32, #tpu.memory_space<hbm>> -> memref<128x1x128xf32, #tpu.memory_space<hbm>>
    %dma_wait3A_340 = tpu.memref_squeeze %dma_wait3A_339 : memref<128x1x128xf32, #tpu.memory_space<hbm>> -> memref<128x128xf32, #tpu.memory_space<hbm>>
    %dma_wait3A_341 = arith.constant 0 : i32
    %dma_wait3A_342 = arith.constant 0 : i32
    %dma_wait3A_343 = tpu.memref_slice %arg9[%dma_wait3A_329, %dma_wait3A_341, %dma_wait3A_342] : memref<7x128x128xf32, #tpu.memory_space<vmem>> -> memref<1x128x128xf32, #tpu.memory_space<vmem>>
    %dma_wait3A_344 = tpu.memref_squeeze %dma_wait3A_343 : memref<1x128x128xf32, #tpu.memory_space<vmem>> -> memref<128x128xf32, #tpu.memory_space<vmem>>
    tpu.wait_dma2 semaphore(%arg21 : memref<!tpu.dma_semaphore, #tpu.memory_space<semaphore_mem>>) src(%dma_wait3A_344 : memref<128x128xf32, #tpu.memory_space<vmem>>) dst(%dma_wait3A_340 : memref<128x128xf32, #tpu.memory_space<hbm>>)
    %dma_wait3A_345 = arith.constant 2 : i32
    %dma_wait3A_346 = arith.constant 0 : i32
    %dma_wait3A_347 = arith.constant 0 : i32
    %dma_wait3A_348 = arith.constant 0 : i32
    %dma_wait3A_349 = tpu.memref_slice %arg9[%dma_wait3A_345, %dma_wait3A_347, %dma_wait3A_348] : memref<7x128x128xf32, #tpu.memory_space<vmem>> -> memref<1x128x128xf32, #tpu.memory_space<vmem>>
    %dma_wait3A_350 = tpu.memref_squeeze %dma_wait3A_349 : memref<1x128x128xf32, #tpu.memory_space<vmem>> -> memref<128x128xf32, #tpu.memory_space<vmem>>
    %dma_wait3A_351 = arith.constant 0 : i32
    %dma_wait3A_352 = tpu.memref_slice %arg6[%add3A_146, %dma_wait3A_346, %dma_wait3A_351] : memref<16384x2x128xf32, #tpu.memory_space<hbm>> -> memref<128x1x128xf32, #tpu.memory_space<hbm>>
    %dma_wait3A_353 = tpu.memref_squeeze %dma_wait3A_352 : memref<128x1x128xf32, #tpu.memory_space<hbm>> -> memref<128x128xf32, #tpu.memory_space<hbm>>
    %dma_wait3A_354 = arith.constant 0 : i32
    %dma_wait3A_355 = tpu.memref_slice %arg6[%add3A_146, %dma_wait3A_346, %dma_wait3A_354] : memref<16384x2x128xf32, #tpu.memory_space<hbm>> -> memref<128x1x128xf32, #tpu.memory_space<hbm>>
    %dma_wait3A_356 = tpu.memref_squeeze %dma_wait3A_355 : memref<128x1x128xf32, #tpu.memory_space<hbm>> -> memref<128x128xf32, #tpu.memory_space<hbm>>
    %dma_wait3A_357 = arith.constant 0 : i32
    %dma_wait3A_358 = arith.constant 0 : i32
    %dma_wait3A_359 = tpu.memref_slice %arg9[%dma_wait3A_345, %dma_wait3A_357, %dma_wait3A_358] : memref<7x128x128xf32, #tpu.memory_space<vmem>> -> memref<1x128x128xf32, #tpu.memory_space<vmem>>
    %dma_wait3A_360 = tpu.memref_squeeze %dma_wait3A_359 : memref<1x128x128xf32, #tpu.memory_space<vmem>> -> memref<128x128xf32, #tpu.memory_space<vmem>>
    tpu.wait_dma2 semaphore(%arg22 : memref<!tpu.dma_semaphore, #tpu.memory_space<semaphore_mem>>) src(%dma_wait3A_360 : memref<128x128xf32, #tpu.memory_space<vmem>>) dst(%dma_wait3A_356 : memref<128x128xf32, #tpu.memory_space<hbm>>)
    %dma_wait3A_361 = arith.constant 3 : i32
    %dma_wait3A_362 = arith.constant 0 : i32
    %dma_wait3A_363 = arith.constant 0 : i32
    %dma_wait3A_364 = arith.constant 0 : i32
    %dma_wait3A_365 = tpu.memref_slice %arg9[%dma_wait3A_361, %dma_wait3A_363, %dma_wait3A_364] : memref<7x128x128xf32, #tpu.memory_space<vmem>> -> memref<1x128x128xf32, #tpu.memory_space<vmem>>
    %dma_wait3A_366 = tpu.memref_squeeze %dma_wait3A_365 : memref<1x128x128xf32, #tpu.memory_space<vmem>> -> memref<128x128xf32, #tpu.memory_space<vmem>>
    %dma_wait3A_367 = arith.constant 0 : i32
    %dma_wait3A_368 = tpu.memref_slice %arg6[%add3A_174, %dma_wait3A_362, %dma_wait3A_367] : memref<16384x2x128xf32, #tpu.memory_space<hbm>> -> memref<128x1x128xf32, #tpu.memory_space<hbm>>
    %dma_wait3A_369 = tpu.memref_squeeze %dma_wait3A_368 : memref<128x1x128xf32, #tpu.memory_space<hbm>> -> memref<128x128xf32, #tpu.memory_space<hbm>>
    %dma_wait3A_370 = arith.constant 0 : i32
    %dma_wait3A_371 = tpu.memref_slice %arg6[%add3A_174, %dma_wait3A_362, %dma_wait3A_370] : memref<16384x2x128xf32, #tpu.memory_space<hbm>> -> memref<128x1x128xf32, #tpu.memory_space<hbm>>
    %dma_wait3A_372 = tpu.memref_squeeze %dma_wait3A_371 : memref<128x1x128xf32, #tpu.memory_space<hbm>> -> memref<128x128xf32, #tpu.memory_space<hbm>>
    %dma_wait3A_373 = arith.constant 0 : i32
    %dma_wait3A_374 = arith.constant 0 : i32
    %dma_wait3A_375 = tpu.memref_slice %arg9[%dma_wait3A_361, %dma_wait3A_373, %dma_wait3A_374] : memref<7x128x128xf32, #tpu.memory_space<vmem>> -> memref<1x128x128xf32, #tpu.memory_space<vmem>>
    %dma_wait3A_376 = tpu.memref_squeeze %dma_wait3A_375 : memref<1x128x128xf32, #tpu.memory_space<vmem>> -> memref<128x128xf32, #tpu.memory_space<vmem>>
    tpu.wait_dma2 semaphore(%arg23 : memref<!tpu.dma_semaphore, #tpu.memory_space<semaphore_mem>>) src(%dma_wait3A_376 : memref<128x128xf32, #tpu.memory_space<vmem>>) dst(%dma_wait3A_372 : memref<128x128xf32, #tpu.memory_space<hbm>>)
    %dma_wait3A_377 = arith.constant 4 : i32
    %dma_wait3A_378 = arith.constant 1 : i32
    %dma_wait3A_379 = arith.constant 0 : i32
    %dma_wait3A_380 = arith.constant 0 : i32
    %dma_wait3A_381 = tpu.memref_slice %arg9[%dma_wait3A_377, %dma_wait3A_379, %dma_wait3A_380] : memref<7x128x128xf32, #tpu.memory_space<vmem>> -> memref<1x128x128xf32, #tpu.memory_space<vmem>>
    %dma_wait3A_382 = tpu.memref_squeeze %dma_wait3A_381 : memref<1x128x128xf32, #tpu.memory_space<vmem>> -> memref<128x128xf32, #tpu.memory_space<vmem>>
    %dma_wait3A_383 = arith.constant 0 : i32
    %dma_wait3A_384 = tpu.memref_slice %arg6[%add3A_202, %dma_wait3A_378, %dma_wait3A_383] : memref<16384x2x128xf32, #tpu.memory_space<hbm>> -> memref<128x1x128xf32, #tpu.memory_space<hbm>>
    %dma_wait3A_385 = tpu.memref_squeeze %dma_wait3A_384 : memref<128x1x128xf32, #tpu.memory_space<hbm>> -> memref<128x128xf32, #tpu.memory_space<hbm>>
    %dma_wait3A_386 = arith.constant 0 : i32
    %dma_wait3A_387 = tpu.memref_slice %arg6[%add3A_202, %dma_wait3A_378, %dma_wait3A_386] : memref<16384x2x128xf32, #tpu.memory_space<hbm>> -> memref<128x1x128xf32, #tpu.memory_space<hbm>>
    %dma_wait3A_388 = tpu.memref_squeeze %dma_wait3A_387 : memref<128x1x128xf32, #tpu.memory_space<hbm>> -> memref<128x128xf32, #tpu.memory_space<hbm>>
    %dma_wait3A_389 = arith.constant 0 : i32
    %dma_wait3A_390 = arith.constant 0 : i32
    %dma_wait3A_391 = tpu.memref_slice %arg9[%dma_wait3A_377, %dma_wait3A_389, %dma_wait3A_390] : memref<7x128x128xf32, #tpu.memory_space<vmem>> -> memref<1x128x128xf32, #tpu.memory_space<vmem>>
    %dma_wait3A_392 = tpu.memref_squeeze %dma_wait3A_391 : memref<1x128x128xf32, #tpu.memory_space<vmem>> -> memref<128x128xf32, #tpu.memory_space<vmem>>
    tpu.wait_dma2 semaphore(%arg24 : memref<!tpu.dma_semaphore, #tpu.memory_space<semaphore_mem>>) src(%dma_wait3A_392 : memref<128x128xf32, #tpu.memory_space<vmem>>) dst(%dma_wait3A_388 : memref<128x128xf32, #tpu.memory_space<hbm>>)
    %dma_wait3A_393 = arith.constant 5 : i32
    %dma_wait3A_394 = arith.constant 1 : i32
    %dma_wait3A_395 = arith.constant 0 : i32
    %dma_wait3A_396 = arith.constant 0 : i32
    %dma_wait3A_397 = tpu.memref_slice %arg9[%dma_wait3A_393, %dma_wait3A_395, %dma_wait3A_396] : memref<7x128x128xf32, #tpu.memory_space<vmem>> -> memref<1x128x128xf32, #tpu.memory_space<vmem>>
    %dma_wait3A_398 = tpu.memref_squeeze %dma_wait3A_397 : memref<1x128x128xf32, #tpu.memory_space<vmem>> -> memref<128x128xf32, #tpu.memory_space<vmem>>
    %dma_wait3A_399 = arith.constant 0 : i32
    %dma_wait3A_400 = tpu.memref_slice %arg6[%add3A_230, %dma_wait3A_394, %dma_wait3A_399] : memref<16384x2x128xf32, #tpu.memory_space<hbm>> -> memref<128x1x128xf32, #tpu.memory_space<hbm>>
    %dma_wait3A_401 = tpu.memref_squeeze %dma_wait3A_400 : memref<128x1x128xf32, #tpu.memory_space<hbm>> -> memref<128x128xf32, #tpu.memory_space<hbm>>
    %dma_wait3A_402 = arith.constant 0 : i32
    %dma_wait3A_403 = tpu.memref_slice %arg6[%add3A_230, %dma_wait3A_394, %dma_wait3A_402] : memref<16384x2x128xf32, #tpu.memory_space<hbm>> -> memref<128x1x128xf32, #tpu.memory_space<hbm>>
    %dma_wait3A_404 = tpu.memref_squeeze %dma_wait3A_403 : memref<128x1x128xf32, #tpu.memory_space<hbm>> -> memref<128x128xf32, #tpu.memory_space<hbm>>
    %dma_wait3A_405 = arith.constant 0 : i32
    %dma_wait3A_406 = arith.constant 0 : i32
    %dma_wait3A_407 = tpu.memref_slice %arg9[%dma_wait3A_393, %dma_wait3A_405, %dma_wait3A_406] : memref<7x128x128xf32, #tpu.memory_space<vmem>> -> memref<1x128x128xf32, #tpu.memory_space<vmem>>
    %dma_wait3A_408 = tpu.memref_squeeze %dma_wait3A_407 : memref<1x128x128xf32, #tpu.memory_space<vmem>> -> memref<128x128xf32, #tpu.memory_space<vmem>>
    tpu.wait_dma2 semaphore(%arg25 : memref<!tpu.dma_semaphore, #tpu.memory_space<semaphore_mem>>) src(%dma_wait3A_408 : memref<128x128xf32, #tpu.memory_space<vmem>>) dst(%dma_wait3A_404 : memref<128x128xf32, #tpu.memory_space<hbm>>)
    %dma_wait3A_409 = arith.constant 6 : i32
    %dma_wait3A_410 = arith.constant 1 : i32
    %dma_wait3A_411 = arith.constant 0 : i32
    %dma_wait3A_412 = arith.constant 0 : i32
    %dma_wait3A_413 = tpu.memref_slice %arg9[%dma_wait3A_409, %dma_wait3A_411, %dma_wait3A_412] : memref<7x128x128xf32, #tpu.memory_space<vmem>> -> memref<1x128x128xf32, #tpu.memory_space<vmem>>
    %dma_wait3A_414 = tpu.memref_squeeze %dma_wait3A_413 : memref<1x128x128xf32, #tpu.memory_space<vmem>> -> memref<128x128xf32, #tpu.memory_space<vmem>>
    %dma_wait3A_415 = arith.constant 0 : i32
    %dma_wait3A_416 = tpu.memref_slice %arg6[%add3A_258, %dma_wait3A_410, %dma_wait3A_415] : memref<16384x2x128xf32, #tpu.memory_space<hbm>> -> memref<128x1x128xf32, #tpu.memory_space<hbm>>
    %dma_wait3A_417 = tpu.memref_squeeze %dma_wait3A_416 : memref<128x1x128xf32, #tpu.memory_space<hbm>> -> memref<128x128xf32, #tpu.memory_space<hbm>>
    %dma_wait3A_418 = arith.constant 0 : i32
    %dma_wait3A_419 = tpu.memref_slice %arg6[%add3A_258, %dma_wait3A_410, %dma_wait3A_418] : memref<16384x2x128xf32, #tpu.memory_space<hbm>> -> memref<128x1x128xf32, #tpu.memory_space<hbm>>
    %dma_wait3A_420 = tpu.memref_squeeze %dma_wait3A_419 : memref<128x1x128xf32, #tpu.memory_space<hbm>> -> memref<128x128xf32, #tpu.memory_space<hbm>>
    %dma_wait3A_421 = arith.constant 0 : i32
    %dma_wait3A_422 = arith.constant 0 : i32
    %dma_wait3A_423 = tpu.memref_slice %arg9[%dma_wait3A_409, %dma_wait3A_421, %dma_wait3A_422] : memref<7x128x128xf32, #tpu.memory_space<vmem>> -> memref<1x128x128xf32, #tpu.memory_space<vmem>>
    %dma_wait3A_424 = tpu.memref_squeeze %dma_wait3A_423 : memref<1x128x128xf32, #tpu.memory_space<vmem>> -> memref<128x128xf32, #tpu.memory_space<vmem>>
    tpu.wait_dma2 semaphore(%arg26 : memref<!tpu.dma_semaphore, #tpu.memory_space<semaphore_mem>>) src(%dma_wait3A_424 : memref<128x128xf32, #tpu.memory_space<vmem>>) dst(%dma_wait3A_420 : memref<128x128xf32, #tpu.memory_space<hbm>>)
    %dma_wait3A_425 = arith.constant 0 : i32
    %dma_wait3A_426 = arith.constant 1 : i32
    %dma_wait3A_427 = arith.constant 0 : i32
    %dma_wait3A_428 = arith.constant 0 : i32
    %dma_wait3A_429 = tpu.memref_slice %arg9[%dma_wait3A_425, %dma_wait3A_427, %dma_wait3A_428] : memref<7x128x128xf32, #tpu.memory_space<vmem>> -> memref<1x128x128xf32, #tpu.memory_space<vmem>>
    %dma_wait3A_430 = tpu.memref_squeeze %dma_wait3A_429 : memref<1x128x128xf32, #tpu.memory_space<vmem>> -> memref<128x128xf32, #tpu.memory_space<vmem>>
    %dma_wait3A_431 = arith.constant 0 : i32
    %dma_wait3A_432 = tpu.memref_slice %arg6[%add3A_312, %dma_wait3A_426, %dma_wait3A_431] : memref<16384x2x128xf32, #tpu.memory_space<hbm>> -> memref<128x1x128xf32, #tpu.memory_space<hbm>>
    %dma_wait3A_433 = tpu.memref_squeeze %dma_wait3A_432 : memref<128x1x128xf32, #tpu.memory_space<hbm>> -> memref<128x128xf32, #tpu.memory_space<hbm>>
    %dma_wait3A_434 = arith.constant 0 : i32
    %dma_wait3A_435 = tpu.memref_slice %arg6[%add3A_312, %dma_wait3A_426, %dma_wait3A_434] : memref<16384x2x128xf32, #tpu.memory_space<hbm>> -> memref<128x1x128xf32, #tpu.memory_space<hbm>>
    %dma_wait3A_436 = tpu.memref_squeeze %dma_wait3A_435 : memref<128x1x128xf32, #tpu.memory_space<hbm>> -> memref<128x128xf32, #tpu.memory_space<hbm>>
    %dma_wait3A_437 = arith.constant 0 : i32
    %dma_wait3A_438 = arith.constant 0 : i32
    %dma_wait3A_439 = tpu.memref_slice %arg9[%dma_wait3A_425, %dma_wait3A_437, %dma_wait3A_438] : memref<7x128x128xf32, #tpu.memory_space<vmem>> -> memref<1x128x128xf32, #tpu.memory_space<vmem>>
    %dma_wait3A_440 = tpu.memref_squeeze %dma_wait3A_439 : memref<1x128x128xf32, #tpu.memory_space<vmem>> -> memref<128x128xf32, #tpu.memory_space<vmem>>
    tpu.wait_dma2 semaphore(%arg27 : memref<!tpu.dma_semaphore, #tpu.memory_space<semaphore_mem>>) src(%dma_wait3A_440 : memref<128x128xf32, #tpu.memory_space<vmem>>) dst(%dma_wait3A_436 : memref<128x128xf32, #tpu.memory_space<hbm>>)
    return
  }
}

</mosaic_0001>

<sc_bundles>
// kernel: kernel.3.cloned.1.call-start
scs
__scs_entry_jumppad:
0x0: {  	(pc) =	sbr.rel $0x88, $3  }
0x1: {  	(tag) =	ssettag $0x0;
	lr =	simm.s32 $0x1  }
0x2: {  	[smem:$0x3F9E] =	sst lr;
	_ =	strace $0xD0000000  }
0x3: {  	_ = 	snop  }
0x4: {  	_ = 	snop  }
0x5: {  	_ = 	snop  }
0x6: {  	_ = 	snop  }
0x7: {  	_ = 	snop  }
__scs_overlays_trampoline_lowered:
0x8: {  	[smem:$0x3FAD] =	sst s0  }
0x9: {  	[smem:$0x3FAE] =	sst s1  }
0xa: {  	[smem:$0x3FAF] =	sst s2  }
0xb: {  	[smem:$0x3FB0] =	sst s3  }
0xc: {  	[smem:$0x3FB1] =	sst s4  }
0xd: {  	[smem:$0x3FB2] =	sst s5  }
0xe: {  	[smem:$0x3FB3] =	sst s6  }
0xf: {  	[smem:$0x3FB4] =	sst s7  }
0x10: {  	[smem:$0x3FB5] =	sst s8  }
0x11: {  	[smem:$0x3FB6] =	sst s9;
	s0 =	simm.s32 @!p0 $0x0  }
0x12: {  	s1 =	sld [smem:$0x3F9C];
	s0 =	simm.s32 @p0 $0x1  }
0x13: {  	[smem:$0x3FB7] =	sst s0;
	s0 =	simm.s32 @!p1 $0x0  }
0x14: {  	s2 =	sld [smem:$0x3F9B];
	s0 =	simm.s32 @p1 $0x1  }
0x15: {  	[smem:$0x3FB8] =	sst s0;
	s0 =	simm.s32 @!p2 $0x0  }
0x16: {  	s3 =	sld [smem:$0x3FDB];
	s0 =	simm.s32 @p2 $0x1  }
0x17: {  	s4 =	simm.s32 $0x1BF5;
	[smem:$0x3FBA] =	sst s0  }
0x18: {  	s0 =	sld [smem:$0x3F9D];
	_ =	swait.ge [sflag:s4], $0x0  }
0x19: {  	s7 =	sld [smem:$0x3F9E]  }
0x1a: {  	s8 =	sadd.s32 $0xFFFFE003, lr  }
0x1b: {  	s9 =	sadd.s32 $0xFFFFFEF7, lr;
	s5 =	simm.s32 $0xFFFFFFFF;
	p2 =	slt.u32 s8, $0xFFFFF086  }
0x1c: {  	p1 =	slt.u32 s9, $0xF7A;
	s5 =	simm.s32 @!p2 $0x0  }
0x1d: {  	s5 =	simm.s32 @p1 $0x1;
	p0 =	seq.s32 s7, s2  }
0x1e: {  	s7 =	smul.u32 @!p0 $0xF7A, s2;
	p2 =	seq.s32 @!p0 s5, $0x0  }
0x1f: {  	s9 =	smul.u32 $0xF7A, s1;
	s8 =	simm.s32 @!p0 $0x1BF5;
	p2 =	por !p2, p0  }
0x20: {  	[sflag:s8] =	ssyncset.s32 @!p0 $0xFFFFF086;
	s6 =	sadd.s32 @!p0 s3, s7;
	s7 =	simm.s32 @!p0 $0x108  }
0x21: {  	s3 =	sadd.s32 s3, s9;
	s6 =	sadd.s32 @!p0 $0x88, s6;
	s7 =	simm.s32 @p2 $0x1082  }
0x22: {  	[simem:s7], [sflag:s8] =	dma.local @!p0 [hbm:s6], $0xF7A  }
0x23: {  	s9 =	sor.u32 $0xD0000000, s2;
	s6 =	simm.s32 $0x108;
	_ =	swait.ge @!p0 [sflag:s8], $0x0  }
0x24: {  	s3 =	sadd.s32 $0x88, s3;
	s6 =	simm.s32 @!p1 $0x1082;
	[sflag:s4] =	ssyncset.s32 $0xFFFFF086  }
0x25: {  	[simem:s6], [sflag:s4] =	dma.local [hbm:s3], $0xF7A  }
0x26: {  	[smem:$0x3F9E] =	sst s1;
	(tag) =	ssettag s2;
	_ =	strace s9  }
0x27: {  	s1 =	sld [smem:$0x3FAE]  }
0x28: {  	s2 =	sld [smem:$0x3FAF]  }
0x29: {  	s4 =	sld [smem:$0x3FB1]  }
0x2a: {  	p0 =	seq.s32 s5, $0x0;
	s5 =	sld [smem:$0x3FB2]  }
0x2b: {  	s6 =	sld [smem:$0x3FB3]  }
0x2c: {  	s7 =	sld [smem:$0x3FB4]  }
0x2d: {  	s3 =	simm.s32 $0x108;
	s8 =	sld [smem:$0x3FB5]  }
0x2e: {  	s3 =	simm.s32 @!p0 $0x1082;
	s9 =	sld [smem:$0x3FB6]  }
0x2f: {  	lr =	sadd.s32 s0, s3;
	s0 =	sld [smem:$0x3FAD]  }
0x30: {  	s3 =	sld [smem:$0x3FB0]  }
0x31: {  	[smem:$0x3FB9] =	sst s10  }
0x32: {  	s10 =	sld [smem:$0x3FB7];
	_ =	sdelay $0x3  }
0x33: {  	p0 =	seq.s32 s10, $0x1;
	s10 =	sld [smem:$0x3FB9];
	_ =	sdelay $0x3  }
0x34: {  	[smem:$0x3FB9] =	sst s10  }
0x35: {  	s10 =	sld [smem:$0x3FB8];
	_ =	sdelay $0x3  }
0x36: {  	p1 =	seq.s32 s10, $0x1;
	s10 =	sld [smem:$0x3FB9];
	_ =	sdelay $0x3  }
0x37: {  	[smem:$0x3FB9] =	sst s10  }
0x38: {  	s10 =	sld [smem:$0x3FBA]  }
0x39: {  	_ = 	snop;
	(pc) =	sbr.ind lr, $3  }
0x3a: {  	_ = 	snop  }
0x3b: {  	_ = 	snop  }
0x3c: {  	p2 =	seq.s32 s10, $0x1;
	s10 =	sld [smem:$0x3FB9]  }
0x3d: {  	_ =	shalt  }
0x3e: {  	_ =	shalt  }
0x3f: {  	_ =	shalt  }
0x40: {  	_ =	shalt  }
0x41: {  	_ =	shalt  }
0x42: {  	_ =	shalt  }
0x43: {  	_ =	shalt  }
0x44: {  	_ =	shalt  }
0x45: {  	_ =	shalt  }
0x46: {  	_ =	shalt  }
0x47: {  	_ =	shalt  }
0x48: {  	_ =	shalt  }
0x49: {  	_ =	shalt  }
0x4a: {  	_ =	shalt  }
0x4b: {  	_ =	shalt  }
0x4c: {  	_ =	shalt  }
0x4d: {  	_ =	shalt  }
0x4e: {  	_ =	shalt  }
0x4f: {  	_ =	shalt  }
0x50: {  	_ =	shalt  }
0x51: {  	_ =	shalt  }
0x52: {  	_ =	shalt  }
0x53: {  	_ =	shalt  }
0x54: {  	_ =	shalt  }
0x55: {  	_ =	shalt  }
0x56: {  	_ =	shalt  }
0x57: {  	_ =	shalt  }
0x58: {  	_ =	shalt  }
0x59: {  	_ =	shalt  }
0x5a: {  	_ =	shalt  }
0x5b: {  	_ =	shalt  }
0x5c: {  	_ =	shalt  }
0x5d: {  	_ =	shalt  }
0x5e: {  	_ =	shalt  }
0x5f: {  	_ =	shalt  }
0x60: {  	_ =	shalt  }
0x61: {  	_ =	shalt  }
0x62: {  	_ =	shalt  }
0x63: {  	_ =	shalt  }
0x64: {  	_ =	shalt  }
0x65: {  	_ =	shalt  }
0x66: {  	_ =	shalt  }
0x67: {  	_ =	shalt  }
0x68: {  	_ =	shalt  }
0x69: {  	_ =	shalt  }
0x6a: {  	_ =	shalt  }
0x6b: {  	_ =	shalt  }
0x6c: {  	_ =	shalt  }
0x6d: {  	_ =	shalt  }
0x6e: {  	_ =	shalt  }
0x6f: {  	_ =	shalt  }
0x70: {  	_ =	shalt  }
0x71: {  	_ =	shalt  }
0x72: {  	_ =	shalt  }
0x73: {  	_ =	shalt  }
0x74: {  	_ =	shalt  }
0x75: {  	_ =	shalt  }
0x76: {  	_ =	shalt  }
0x77: {  	_ =	shalt  }
0x78: {  	_ =	shalt  }
0x79: {  	_ =	shalt  }
0x7a: {  	_ =	shalt  }
0x7b: {  	_ =	shalt  }
0x7c: {  	_ =	shalt  }
0x7d: {  	_ =	shalt  }
0x7e: {  	_ =	shalt  }
0x7f: {  	_ =	shalt  }
0x80: {  	_ =	shalt  }
0x81: {  	_ =	shalt  }
0x82: {  	_ =	shalt  }
0x83: {  	_ =	shalt  }
0x84: {  	_ =	shalt  }
0x85: {  	_ =	shalt  }
0x86: {  	_ =	shalt  }
0x87: {  	_ =	shalt  }
.Lfunc_end0:
.L_simem_size_0:
called_computation_lowered:
.L_overlay_start_0:
0x88: {  	s2 =	sld [smem:$0x3FD9]  }
0x89: {  	s3 =	sld [smem:$0x3FFE];
	_ =	sdelay $0x1  }
0x8a: {  	s1 =	srdreg.scid  }
0x8b: {  	s0 =	sand.u32 $0x1, s1  }
0x8c: {  	s17 =	sshll.u32 s0, $0xA;
	s2 =	sadd.s32 s3, s2  }
0x8d: {  	s2 =	sadd.s32 s2, s17  }
0x8e: {  	[smem:$0x3FC5] =	sst s2  }
0x8f: {  	_ = 	snop  }
0x90: {  	s2 =	sld [smem:$0x3FC9]  }
0x91: {  	s18 =	sld [smem:$0x3FC8]  }
0x92: {  	s4 =	sld [smem:$0x3FD0];
	(tm) =	ssettm $0x1  }
0x93: {  	s5 =	sld [smem:$0x3FFB];
	_ =	sdelay $0x3  }
0x94: {  	_ =	strace s5  }
0x95: {  	s5 =	sld [smem:$0x3FFC];
	_ =	sdelay $0x3  }
0x96: {  	_ =	strace s5  }
0x97: {  	s5 =	sld [smem:$0x3FFD];
	_ =	sdelay $0x3  }
0x98: {  	_ =	strace s5  }
0x99: {  	_ =	strace $0x8FFFFFFF  }
0x9a: {  	s19 =	sld [smem:$0x3FDB];
	_ =	sdelay $0x1  }
0x9b: {  	s6 =	simm.s32 $_scs_section_size  }
0x9c: {  	s7 =	simm.s32 $_size__tile_overlayer_lowered;
	s8 =	simm.s32 $_tile_overlayer_lowered  }
0x9d: {  	s22 =	simm.s32 $0x1BFF;
	s21 =	sshll.u32 s8, $0x1;
	s5 =	sadd.s32 s6, s19  }
0x9e: {  	s9 =	simm.s32 $0x0;
	s20 =	sshll.u32 s7, $0x1;
	s7 =	sadd.s32 s21, s5  }
0x9f: {  	[timem:s9], [sflag:s22] =	dma.local [hbm:s7], s20  }
0xa0: {  	_ =	swait.ge [sflag:s22], s20  }
0xa1: {  	s6 =	ssub.s32 $0x0, s20;
	[sflag:s22] =	ssyncset.done $0x0  }
0xa2: {  	[sflag:s22] =	ssyncadd.s32 s6;
	_ =	sdelay $0x1  }
0xa3: {  	s23 =	simm.s32 $0x1B8B  }
0xa4: {  	_ =	swait.ge [sflag:s23], $0x1  }
0xa5: {  	[sflag:s23] =	ssyncset.done $0x0  }
0xa6: {  	s25 =	simm.s32 $0x1B8E;
	s24 =	sld [smem:$0x3FFE];
	[sflag:s23] =	ssyncadd.s32 $0xFFFFFFFF  }
0xa7: {  	s26 =	simm.s32 $execute0_lowered;
	[smem:$0x3FD2] =	sst s25  }
0xa8: {  	s7 =	sshll.u32 s26, $0x1;
	_ =	strace $0x80000046;
	[dreg:$0x1] =	wrdreg $0xFFFFFFFF  }
0xa9: {  	s28 =	simm.s32 $_size_execute0_lowered;
	s5 =	sadd.s32 s5, s7;
	[dreg:$0x0] =	wrdreg $0x0  }
0xaa: {  	s7 =	sshll.u32 s28, $0x1;
	[dreg:$0x2] =	wrdreg s5  }
0xab: {  	[dreg:$0x3] =	wrdreg s7  }
0xac: {  	[dreg:$0x4] =	wrdreg $0xC0  }
0xad: {  	_ =	task [dreg:s9], $0x5FFFF  }
0xae: {  	[dreg:$0x1] =	wrdreg $0xFFFFFFFF  }
0xaf: {  	[dreg:$0x0] =	wrdreg $0x60  }
0xb0: {  	[dreg:$0x2] =	wrdreg s2  }
0xb1: {  	[dreg:$0x3] =	wrdreg s18  }
0xb2: {  	[dreg:$0x4] =	wrdreg s24  }
0xb3: {  	[dreg:$0x5] =	wrdreg s4  }
0xb4: {  	[dreg:$0x6] =	wrdreg $0x9  }
0xb5: {  	_ =	task.clear_ibuf [dreg:s9], $0x7FFFF;
	_ =	strace $0x90000046  }
0xb6: {  	s29 =	simm.s32 $0x9;
	_ =	strace $0x80000048  }
0xb7: {  	_ =	swait.ge [sflag:s29], $0x1  }
0xb8: {  	[sflag:s29] =	ssyncadd.s32 $0xFFFFFFFF  }
0xb9: {  	_ =	strace $0x90000048  }
0xba: {  	_ =	sfence  }
0xbb: {  	s30 =	sld [smem:$0x0];
	_ =	sdelay $0x2  }
0xbc: {  	s31 =	sshll.u32 s1, $0xD;
	s1 =	sshrl.u32 s1, $0x2  }
0xbd: {  	s3 =	sand.u32 $0x4000, s31;
	s1 =	sadd.s32 s1, s30  }
0xbe: {  	s0 =	sor.u32 s3, s0;
	s1 =	sshll.u32 s1, $0x11  }
0xbf: {  	s0 =	sor.u32 s1, s0  }
0xc0: {  	s0 =	sadd.s32 $0x8F2B, s0  }
0xc1: {  	[sflag:s0] =	ssyncadd.remote.s32 $0x1  }
0xc2: {  	_ =	sfence.sel $0xFFFF  }
0xc3: {  	[dreg:$0x0] =	wrdreg $0xFFFFFFFF;
	(pc) =	sbr.abs _section_cstart, $3  }
0xc4: {  	[dreg:$0x1] =	wrdreg $0xFFFFFFFF  }
0xc5: {  	_ =	task.clear_ibuf [dreg:s9], $0x2FFFF;
	_ =	strace $0x9FFFFFFF  }
0xc6: {  	(tm) =	ssettm $0x7FFFFFFF  }
0xc7: {  	_ =	shalt  }
tec
execute0_lowered:
.L_overlay_start_1:
0x0: {  	(tag) =	ssettag $0x1  }
0x1: {  	s6 =	rddreg [dreg:$0x0]  }
0x2: {  	s2 =	rddreg [dreg:$0x1]  }
0x3: {  	s0 =	srdreg.scid;
	s1 =	rddreg [dreg:$0x2]  }
0x4: {  	s18 =	stileid.u32;
	s4 =	rddreg [dreg:$0x3];
	s13 =	simm.s32 $0x0  }
0x5: {  	s25 =	simm.s32 $0x180;
	s8 =	simm.s32 $0x280;
	s26 =	simm.s32 $0x300  }
0x6: {  	s9 =	simm.s32 $0x3;
	s31 =	simm.s32 $0x4;
	s30 =	simm.s32 $0x5  }
0x7: {  	s29 =	simm.s32 $0x6;
	s28 =	simm.s32 $0x380;
	p0 =	por $0x0, $0x0  }
0x8: {  	s15 =	simm.s32 $0xD;
	s12 =	simm.s32 $0xE;
	s11 =	simm.s32 $0xF  }
0x9: {  	s10 =	simm.s32 $0x10;
	s0 =	sand.u32 $0x1, s0;
	[smem:$0x7FF] =	sst s13  }
0xa: {  	s3 =	sshll.u32 s18, $0x1;
	_ =	strace $0x80000047;
	[dreg:$0xe] =	wrdreg s25  }
0xb: {  	s3 =	sor.u32 s0, s3;
	s0 =	ssub.s32 $0x2, s0;
	[dreg:$0xf] =	wrdreg s8  }
0xc: {  	[dreg:$0x10] =	wrdreg s26;
	s5 =	sshll.u32 s3, $0x6;
	s3 =	sshll.u32 s3, $0xE  }
0xd: {  	[dreg:$0x11] =	wrdreg s28;
	s1 =	sadd.s32 s5, s1;
	s4 =	sadd.s32 s4, s3  }
0xe: {  	s26 =	simm.s32 $0x7;
	s5 =	sadd.s32 $0xE00, s1;
	[dreg:$0x12] =	wrdreg s4  }
0xf: {  	s25 =	simm.s32 $0x8;
	s1 =	sadd.s32 $0x600, s1;
	[dreg:$0x5] =	wrdreg s5  }
0x10: {  	s8 =	simm.s32 $0x11;
	s16 =	sadd.s32 $0x1000, s4;
	[dreg:$0x6] =	wrdreg s1  }
0x11: {  	s22 =	sshrl.u32 s0, $0x1;
	s17 =	sadd.s32 $0x2000, s4;
	[dreg:$0x7] =	wrdreg s16  }
0x12: {  	s0 =	ssub.s32 s0, s22;
	s19 =	sadd.s32 $0x3000, s4;
	[dreg:$0x8] =	wrdreg s17  }
0x13: {  	s3 =	simm.s32 $0x80;
	s20 =	sadd.s32 $0x10, s4;
	[dreg:$0x9] =	wrdreg s19  }
0x14: {  	s21 =	sadd.s32 $0x1010, s4;
	s7 =	smax.u32 s0, $0x1;
	[dreg:$0xa] =	wrdreg s20  }
0x15: {  	s23 =	sadd.s32 $0x2010, s4;
	[dreg:$0xb] =	wrdreg s21;
	p1 =	sne.s32 s7, $0x1  }
.Ltmp0:
0x16: {  	s24 =	sadd.s32 $0x3010, s4;
	[dreg:$0xc] =	wrdreg s23;
	(pc) =	sbr.rel @!p1 .LBB2_1-.Ltmp0, $4  }
0x17: {  	s4 =	simm.s32 $0x400;
	s0 =	simm.s32 $0x2;
	[dreg:$0xd] =	wrdreg s24  }
0x18: {  	s1 =	simm.s32 $0x1;
	s5 =	simm.s32 $0x100;
	s23 =	simm.s32 $0x9  }
0x19: {  	s22 =	sadd.s32 $0xFFFFFFFF, s7;
	s21 =	simm.s32 $0xB;
	s19 =	simm.s32 $0xA  }
0x1a: {  	s17 =	simm.s32 $0xC;
	s7 =	simm.s32 $0x12;
	s16 =	rddreg [dreg:$0x5]  }
0x1b: {  	[tilespmem:s13], [sflag:$0x1] =	stream.linear.gather [hbm4b:s16+s13], $0x200, $0x38;
	[tilespmem:$0x1C400] =	vst v63  }
0x1c: {  	s14 =	rddreg [dreg:$0x6];
	s28 =	simm.s32 $0x200  }
0x1d: {  	[tilespmem:s28], [sflag:$0x2] =	stream.linear.gather [hbm4b:s14+s13], $0x200, $0x38;
	[tilespmem:$0x1C400] =	vst v63  }
0x1e: {  	_ =	swait.ge [sflag:s1], $0x200  }
0x1f: {  	[sflag:s1] =	ssyncset.done $0x0  }
0x20: {  	[sflag:s1] =	ssyncadd.s32 $0xFFFFFE00  }
0x21: {  	[tilespmem:s4], [sflag:$0x3] =	stream.indirect.gather [hbm4b:s6+s3], $0x80, s13, s3, $0xb8;
	[tilespmem:$0x1C400] =	vst v63  }
0x22: {  	s18 =	simm.s32 $0x4400  }
0x23: {  	[tilespmem:s18], [sflag:$0x4] =	stream.indirect.gather [hbm4b:s6+s3], $0x80, s3, s3, $0xb8;
	[tilespmem:$0x1C400] =	vst v63  }
0x24: {  	s20 =	simm.s32 $0x8400  }
0x25: {  	[tilespmem:s20], [sflag:$0x5] =	stream.indirect.gather [hbm4b:s6+s3], $0x80, s5, s3, $0xb8;
	[tilespmem:$0x1C400] =	vst v63  }
0x26: {  	s24 =	simm.s32 $0xC400;
	s8 =	rddreg [dreg:$0xe]  }
0x27: {  	[tilespmem:s24], [sflag:$0x6] =	stream.indirect.gather [hbm4b:s6+s3], $0x80, s8, s3, $0xb8;
	[tilespmem:$0x1C400] =	vst v63  }
0x28: {  	_ =	swait.ge [sflag:s0], $0x200  }
0x29: {  	[sflag:s0] =	ssyncset.done $0x0  }
0x2a: {  	s8 =	simm.s32 $0x10400;
	[sflag:s0] =	ssyncadd.s32 $0xFFFFFE00  }
0x2b: {  	[tilespmem:s8], [sflag:$0x7] =	stream.indirect.gather [hbm4b:s2+s3], $0x80, s28, s3, $0xb8;
	[tilespmem:$0x1C400] =	vst v63  }
0x2c: {  	s14 =	rddreg [dreg:$0xf];
	s28 =	simm.s32 $0x14400  }
0x2d: {  	[tilespmem:s28], [sflag:$0x8] =	stream.indirect.gather [hbm4b:s2+s3], $0x80, s14, s3, $0xb8;
	[tilespmem:$0x1C400] =	vst v63  }
0x2e: {  	s16 =	rddreg [dreg:$0x10];
	s14 =	simm.s32 $0x18400  }
0x2f: {  	[tilespmem:s14], [sflag:$0x9] =	stream.indirect.gather [hbm4b:s2+s3], $0x80, s16, s3, $0xb8;
	[tilespmem:$0x1C400] =	vst v63  }
0x30: {  	_ =	swait.ge [sflag:s9], $0x4000  }
0x31: {  	[sflag:s9] =	ssyncset.done $0x0  }
0x32: {  	s14 =	rddreg [dreg:$0x12];
	[sflag:s9] =	ssyncadd.s32 $0xFFFFC000  }
0x33: {  	[hbm4b:s14+s3] =	stream.strided.scatter [tilespmem:s4], [sflag:$0xB], $0x4000, s5, s3, $0x38;
	[tilespmem:$0x1C400] =	vst v63  }
0x34: {  	_ =	swait.ge [sflag:s31], $0x4000  }
0x35: {  	[sflag:s31] =	ssyncset.done $0x0  }
0x36: {  	s14 =	rddreg [dreg:$0x7];
	[sflag:s31] =	ssyncadd.s32 $0xFFFFC000  }
0x37: {  	[hbm4b:s14+s3] =	stream.strided.scatter [tilespmem:s18], [sflag:$0xC], $0x4000, s5, s3, $0x38;
	[tilespmem:$0x1C400] =	vst v63  }
0x38: {  	_ =	swait.ge [sflag:s30], $0x4000  }
0x39: {  	[sflag:s30] =	ssyncset.done $0x0  }
0x3a: {  	s18 =	rddreg [dreg:$0x8];
	[sflag:s30] =	ssyncadd.s32 $0xFFFFC000  }
0x3b: {  	[hbm4b:s18+s3] =	stream.strided.scatter [tilespmem:s20], [sflag:$0xD], $0x4000, s5, s3, $0x38;
	[tilespmem:$0x1C400] =	vst v63  }
0x3c: {  	_ =	swait.ge [sflag:s29], $0x4000  }
0x3d: {  	[sflag:s29] =	ssyncset.done $0x0  }
0x3e: {  	s20 =	rddreg [dreg:$0x9];
	[sflag:s29] =	ssyncadd.s32 $0xFFFFC000  }
0x3f: {  	[hbm4b:s20+s3] =	stream.strided.scatter [tilespmem:s24], [sflag:$0xE], $0x4000, s5, s3, $0x38;
	[tilespmem:$0x1C400] =	vst v63  }
0x40: {  	_ =	swait.ge [sflag:s26], $0x4000  }
0x41: {  	[sflag:s26] =	ssyncset.done $0x0  }
0x42: {  	s24 =	rddreg [dreg:$0xa];
	[sflag:s26] =	ssyncadd.s32 $0xFFFFC000  }
0x43: {  	[hbm4b:s24+s3] =	stream.strided.scatter [tilespmem:s8], [sflag:$0xF], $0x4000, s5, s3, $0x38;
	[tilespmem:$0x1C400] =	vst v63  }
0x44: {  	_ =	swait.ge [sflag:s25], $0x4000  }
0x45: {  	[sflag:s25] =	ssyncset.done $0x0  }
0x46: {  	s18 =	rddreg [dreg:$0xb];
	[sflag:s25] =	ssyncadd.s32 $0xFFFFC000  }
0x47: {  	[hbm4b:s18+s3] =	stream.strided.scatter [tilespmem:s28], [sflag:$0x10], $0x4000, s5, s3, $0x38;
	[tilespmem:$0x1C400] =	vst v63  }
0x48: {  	_ =	swait.ge [sflag:s23], $0x4000  }
0x49: {  	[sflag:s23] =	ssyncset.done $0x0  }
0x4a: {  	s16 =	simm.s32 $0x18400;
	s20 =	rddreg [dreg:$0xc];
	[sflag:s23] =	ssyncadd.s32 $0xFFFFC000  }
0x4b: {  	[hbm4b:s20+s3] =	stream.strided.scatter [tilespmem:s16], [sflag:$0x11], $0x4000, s5, s3, $0x38;
	[tilespmem:$0x1C400] =	vst v63  }
0x4c: {  	_ =	swait.ge [sflag:s21], $0x4000  }
0x4d: {  	[sflag:s21] =	ssyncset.done $0x0  }
0x4e: {  	s24 =	rddreg [dreg:$0x11];
	[sflag:s21] =	ssyncadd.s32 $0xFFFFC000  }
0x4f: {  	[tilespmem:s4], [sflag:$0xA] =	stream.indirect.gather [hbm4b:s2+s3], $0x80, s24, s3, $0xb8;
	[tilespmem:$0x1C400] =	vst v63  }
0x50: {  	_ =	swait.ge [sflag:s19], $0x4000  }
0x51: {  	[sflag:s19] =	ssyncset.done $0x0  }
0x52: {  	s28 =	rddreg [dreg:$0xd];
	[sflag:s19] =	ssyncadd.s32 $0xFFFFC000  }
0x53: {  	[hbm4b:s28+s3] =	stream.strided.scatter [tilespmem:s4], [sflag:$0x12], $0x4000, s5, s3, $0x38;
	[tilespmem:$0x1C400] =	vst v63  }
0x54: {  	_ =	swait.ge [sflag:s17], $0x4000  }
0x55: {  	[sflag:s17] =	ssyncset.done $0x0  }
0x56: {  	[sflag:s17] =	ssyncadd.s32 $0xFFFFC000  }
0x57: {  	_ =	swait.ge [sflag:s15], $0x4000  }
0x58: {  	[sflag:s15] =	ssyncset.done $0x0  }
0x59: {  	[sflag:s15] =	ssyncadd.s32 $0xFFFFC000  }
0x5a: {  	_ =	swait.ge [sflag:s12], $0x4000  }
0x5b: {  	[sflag:s12] =	ssyncset.done $0x0  }
0x5c: {  	[sflag:s12] =	ssyncadd.s32 $0xFFFFC000  }
0x5d: {  	_ =	swait.ge [sflag:s11], $0x4000  }
0x5e: {  	[sflag:s11] =	ssyncset.done $0x0  }
0x5f: {  	[sflag:s11] =	ssyncadd.s32 $0xFFFFC000  }
0x60: {  	_ =	swait.ge [sflag:s10], $0x4000  }
0x61: {  	[sflag:s10] =	ssyncset.done $0x0  }
0x62: {  	p1 =	sne.s32 s22, $0x1;
	s8 =	simm.s32 $0x11;
	[sflag:s10] =	ssyncadd.s32 $0xFFFFC000  }
.Ltmp1:
0x63: {  	_ =	swait.ge [sflag:s8], $0x4000;
	(pc) =	sbr.rel @!p1 .LBB2_7-.Ltmp1, $4  }
0x64: {  	[sflag:s8] =	ssyncset.done $0x0  }
0x65: {  	[sflag:s8] =	ssyncadd.s32 $0xFFFFC000  }
0x66: {  	p0 =	por $0x1, $0x1;
	_ =	swait.ge [sflag:s7], $0x4000  }
0x67: {  	s14 =	sadd.s32 $0xFFFFFFFF, s22;
	s16 =	rddreg [dreg:$0x5];
	[sflag:s7] =	ssyncset.done $0x0  }
0x68: {  	s28 =	simm.s32 $0x4400;
	s24 =	simm.s32 $0x8400;
	s22 =	simm.s32 $0xC400  }
.LBB2_4:
0x69: {  	[sflag:s7] =	ssyncadd.s32 $0xFFFFC000  }
0x6a: {  	[tilespmem:s13], [sflag:$0x1] =	stream.linear.gather [hbm4b:s16+s13], $0x200, $0x38;
	[tilespmem:$0x1C400] =	vst v63  }
0x6b: {  	s18 =	rddreg [dreg:$0x6];
	s20 =	simm.s32 $0x200  }
0x6c: {  	[tilespmem:s20], [sflag:$0x2] =	stream.linear.gather [hbm4b:s18+s13], $0x200, $0x38;
	[tilespmem:$0x1C400] =	vst v63  }
0x6d: {  	_ =	swait.ge [sflag:s1], $0x200  }
0x6e: {  	[sflag:s1] =	ssyncset.done $0x0  }
0x6f: {  	[sflag:s1] =	ssyncadd.s32 $0xFFFFFE00  }
0x70: {  	[tilespmem:s4], [sflag:$0x3] =	stream.indirect.gather [hbm4b:s6+s3], $0x80, s13, s3, $0xb8;
	[tilespmem:$0x1C400] =	vst v63  }
0x71: {  	_ = 	snop  }
0x72: {  	[tilespmem:s28], [sflag:$0x4] =	stream.indirect.gather [hbm4b:s6+s3], $0x80, s3, s3, $0xb8;
	[tilespmem:$0x1C400] =	vst v63  }
0x73: {  	_ = 	snop  }
0x74: {  	[tilespmem:s24], [sflag:$0x5] =	stream.indirect.gather [hbm4b:s6+s3], $0x80, s5, s3, $0xb8;
	[tilespmem:$0x1C400] =	vst v63  }
0x75: {  	s7 =	rddreg [dreg:$0xe]  }
0x76: {  	[tilespmem:s22], [sflag:$0x6] =	stream.indirect.gather [hbm4b:s6+s3], $0x80, s7, s3, $0xb8;
	[tilespmem:$0x1C400] =	vst v63  }
0x77: {  	_ =	swait.ge [sflag:s0], $0x200  }
0x78: {  	[sflag:s0] =	ssyncset.done $0x0  }
0x79: {  	s7 =	simm.s32 $0x10400;
	[sflag:s0] =	ssyncadd.s32 $0xFFFFFE00  }
0x7a: {  	[tilespmem:s7], [sflag:$0x7] =	stream.indirect.gather [hbm4b:s2+s3], $0x80, s20, s3, $0xb8;
	[tilespmem:$0x1C400] =	vst v63  }
0x7b: {  	s8 =	rddreg [dreg:$0xf];
	s20 =	simm.s32 $0x14400  }
0x7c: {  	[tilespmem:s20], [sflag:$0x8] =	stream.indirect.gather [hbm4b:s2+s3], $0x80, s8, s3, $0xb8;
	[tilespmem:$0x1C400] =	vst v63  }
0x7d: {  	s18 =	rddreg [dreg:$0x10];
	s8 =	simm.s32 $0x18400  }
0x7e: {  	[tilespmem:s8], [sflag:$0x9] =	stream.indirect.gather [hbm4b:s2+s3], $0x80, s18, s3, $0xb8;
	[tilespmem:$0x1C400] =	vst v63  }
0x7f: {  	_ =	swait.ge [sflag:s9], $0x4000  }
0x80: {  	[sflag:s9] =	ssyncset.done $0x0  }
0x81: {  	s18 =	rddreg [dreg:$0x12];
	[sflag:s9] =	ssyncadd.s32 $0xFFFFC000  }
0x82: {  	[hbm4b:s18+s3] =	stream.strided.scatter [tilespmem:s4], [sflag:$0xB], $0x4000, s5, s3, $0x38;
	[tilespmem:$0x1C400] =	vst v63  }
0x83: {  	_ =	swait.ge [sflag:s31], $0x4000  }
0x84: {  	[sflag:s31] =	ssyncset.done $0x0  }
0x85: {  	s18 =	rddreg [dreg:$0x7];
	[sflag:s31] =	ssyncadd.s32 $0xFFFFC000  }
0x86: {  	[hbm4b:s18+s3] =	stream.strided.scatter [tilespmem:s28], [sflag:$0xC], $0x4000, s5, s3, $0x38;
	[tilespmem:$0x1C400] =	vst v63  }
0x87: {  	_ =	swait.ge [sflag:s30], $0x4000  }
0x88: {  	[sflag:s30] =	ssyncset.done $0x0  }
0x89: {  	s18 =	rddreg [dreg:$0x8];
	[sflag:s30] =	ssyncadd.s32 $0xFFFFC000  }
0x8a: {  	[hbm4b:s18+s3] =	stream.strided.scatter [tilespmem:s24], [sflag:$0xD], $0x4000, s5, s3, $0x38;
	[tilespmem:$0x1C400] =	vst v63  }
0x8b: {  	_ =	swait.ge [sflag:s29], $0x4000  }
0x8c: {  	[sflag:s29] =	ssyncset.done $0x0  }
0x8d: {  	s18 =	rddreg [dreg:$0x9];
	[sflag:s29] =	ssyncadd.s32 $0xFFFFC000  }
0x8e: {  	[hbm4b:s18+s3] =	stream.strided.scatter [tilespmem:s22], [sflag:$0xE], $0x4000, s5, s3, $0x38;
	[tilespmem:$0x1C400] =	vst v63  }
0x8f: {  	_ =	swait.ge [sflag:s26], $0x4000  }
0x90: {  	[sflag:s26] =	ssyncset.done $0x0  }
0x91: {  	s18 =	rddreg [dreg:$0xa];
	[sflag:s26] =	ssyncadd.s32 $0xFFFFC000  }
0x92: {  	[hbm4b:s18+s3] =	stream.strided.scatter [tilespmem:s7], [sflag:$0xF], $0x4000, s5, s3, $0x38;
	[tilespmem:$0x1C400] =	vst v63  }
0x93: {  	_ =	swait.ge [sflag:s25], $0x4000  }
0x94: {  	[sflag:s25] =	ssyncset.done $0x0  }
0x95: {  	s18 =	rddreg [dreg:$0xb];
	[sflag:s25] =	ssyncadd.s32 $0xFFFFC000  }
0x96: {  	[hbm4b:s18+s3] =	stream.strided.scatter [tilespmem:s20], [sflag:$0x10], $0x4000, s5, s3, $0x38;
	[tilespmem:$0x1C400] =	vst v63  }
0x97: {  	_ =	swait.ge [sflag:s23], $0x4000  }
0x98: {  	[sflag:s23] =	ssyncset.done $0x0  }
0x99: {  	s20 =	rddreg [dreg:$0xc];
	[sflag:s23] =	ssyncadd.s32 $0xFFFFC000  }
0x9a: {  	[hbm4b:s20+s3] =	stream.strided.scatter [tilespmem:s8], [sflag:$0x11], $0x4000, s5, s3, $0x38;
	[tilespmem:$0x1C400] =	vst v63  }
0x9b: {  	_ =	swait.ge [sflag:s21], $0x4000  }
0x9c: {  	[sflag:s21] =	ssyncset.done $0x0  }
0x9d: {  	s18 =	rddreg [dreg:$0x11];
	[sflag:s21] =	ssyncadd.s32 $0xFFFFC000  }
0x9e: {  	[tilespmem:s4], [sflag:$0xA] =	stream.indirect.gather [hbm4b:s2+s3], $0x80, s18, s3, $0xb8;
	[tilespmem:$0x1C400] =	vst v63  }
0x9f: {  	_ =	swait.ge [sflag:s19], $0x4000  }
0xa0: {  	[sflag:s19] =	ssyncset.done $0x0  }
0xa1: {  	s20 =	rddreg [dreg:$0xd];
	[sflag:s19] =	ssyncadd.s32 $0xFFFFC000  }
0xa2: {  	[hbm4b:s20+s3] =	stream.strided.scatter [tilespmem:s4], [sflag:$0x12], $0x4000, s5, s3, $0x38;
	[tilespmem:$0x1C400] =	vst v63  }
0xa3: {  	_ =	swait.ge [sflag:s17], $0x4000  }
0xa4: {  	[sflag:s17] =	ssyncset.done $0x0  }
0xa5: {  	[sflag:s17] =	ssyncadd.s32 $0xFFFFC000  }
0xa6: {  	_ =	swait.ge [sflag:s15], $0x4000  }
0xa7: {  	[sflag:s15] =	ssyncset.done $0x0  }
0xa8: {  	[sflag:s15] =	ssyncadd.s32 $0xFFFFC000  }
0xa9: {  	_ =	swait.ge [sflag:s12], $0x4000  }
0xaa: {  	[sflag:s12] =	ssyncset.done $0x0  }
0xab: {  	[sflag:s12] =	ssyncadd.s32 $0xFFFFC000  }
0xac: {  	_ =	swait.ge [sflag:s11], $0x4000  }
0xad: {  	[sflag:s11] =	ssyncset.done $0x0  }
0xae: {  	[sflag:s11] =	ssyncadd.s32 $0xFFFFC000  }
0xaf: {  	_ =	swait.ge [sflag:s10], $0x4000  }
0xb0: {  	[sflag:s10] =	ssyncset.done $0x0  }
0xb1: {  	p1 =	sne.s32 s14, $0x1;
	s8 =	simm.s32 $0x11;
	[sflag:s10] =	ssyncadd.s32 $0xFFFFC000  }
.Ltmp2:
0xb2: {  	_ =	swait.ge [sflag:s8], $0x4000;
	(pc) =	sbr.rel @p1 .LBB2_4-.Ltmp2, $4  }
0xb3: {  	[sflag:s8] =	ssyncset.done $0x0  }
0xb4: {  	s7 =	simm.s32 $0x12;
	[sflag:s8] =	ssyncadd.s32 $0xFFFFC000  }
0xb5: {  	_ =	swait.ge [sflag:s7], $0x4000  }
0xb6: {  	s14 =	sadd.s32 $0xFFFFFFFF, s14;
	s16 =	rddreg [dreg:$0x5];
	[sflag:s7] =	ssyncset.done $0x0  }
0xb7: {  	s20 =	rddreg [dreg:$0x12];
	s18 =	stileid.u32  }
.LBB2_6:
0xb8: {  	[sflag:s7] =	ssyncadd.s32 @p0 $0xFFFFC000  }
0xb9: {  	[tilespmem:s13], [sflag:$0x1] =	stream.linear.gather [hbm4b:s16+s13], $0x200, $0x38;
	[tilespmem:$0x1C400] =	vst v63  }
0xba: {  	s14 =	rddreg [dreg:$0x6];
	s28 =	simm.s32 $0x200  }
0xbb: {  	[tilespmem:s28], [sflag:$0x2] =	stream.linear.gather [hbm4b:s14+s13], $0x200, $0x38;
	[tilespmem:$0x1C400] =	vst v63  }
0xbc: {  	_ =	swait.ge [sflag:s1], $0x200  }
0xbd: {  	[sflag:s1] =	ssyncset.done $0x0  }
0xbe: {  	[sflag:s1] =	ssyncadd.s32 $0xFFFFFE00  }
0xbf: {  	[tilespmem:s4], [sflag:$0x3] =	stream.indirect.gather [hbm4b:s6+s3], $0x80, s13, s3, $0xb8;
	[tilespmem:$0x1C400] =	vst v63  }
0xc0: {  	s24 =	simm.s32 $0x4400  }
0xc1: {  	[tilespmem:s24], [sflag:$0x4] =	stream.indirect.gather [hbm4b:s6+s3], $0x80, s3, s3, $0xb8;
	[tilespmem:$0x1C400] =	vst v63  }
0xc2: {  	s22 =	simm.s32 $0x8400  }
0xc3: {  	[tilespmem:s22], [sflag:$0x5] =	stream.indirect.gather [hbm4b:s6+s3], $0x80, s5, s3, $0xb8;
	[tilespmem:$0x1C400] =	vst v63  }
0xc4: {  	s16 =	simm.s32 $0xC400;
	s14 =	rddreg [dreg:$0xe]  }
0xc5: {  	[tilespmem:s16], [sflag:$0x6] =	stream.indirect.gather [hbm4b:s6+s3], $0x80, s14, s3, $0xb8;
	[tilespmem:$0x1C400] =	vst v63  }
0xc6: {  	_ =	swait.ge [sflag:s0], $0x200  }
0xc7: {  	[sflag:s0] =	ssyncset.done $0x0  }
0xc8: {  	s14 =	simm.s32 $0x10400;
	[sflag:s0] =	ssyncadd.s32 $0xFFFFFE00  }
0xc9: {  	[tilespmem:s14], [sflag:$0x7] =	stream.indirect.gather [hbm4b:s2+s3], $0x80, s28, s3, $0xb8;
	[tilespmem:$0x1C400] =	vst v63  }
0xca: {  	s13 =	simm.s32 $0x14400;
	s6 =	rddreg [dreg:$0xf]  }
0xcb: {  	[tilespmem:s13], [sflag:$0x8] =	stream.indirect.gather [hbm4b:s2+s3], $0x80, s6, s3, $0xb8;
	[tilespmem:$0x1C400] =	vst v63  }
0xcc: {  	s28 =	rddreg [dreg:$0x10];
	s6 =	simm.s32 $0x18400  }
0xcd: {  	[tilespmem:s6], [sflag:$0x9] =	stream.indirect.gather [hbm4b:s2+s3], $0x80, s28, s3, $0xb8;
	[tilespmem:$0x1C400] =	vst v63  }
0xce: {  	_ =	swait.ge [sflag:s9], $0x4000  }
0xcf: {  	[sflag:s9] =	ssyncset.done $0x0  }
0xd0: {  	[sflag:s9] =	ssyncadd.s32 $0xFFFFC000  }
0xd1: {  	[hbm4b:s20+s3] =	stream.strided.scatter [tilespmem:s4], [sflag:$0xB], $0x4000, s5, s3, $0x38;
	[tilespmem:$0x1C400] =	vst v63  }
0xd2: {  	_ =	swait.ge [sflag:s31], $0x4000  }
0xd3: {  	[sflag:s31] =	ssyncset.done $0x0  }
0xd4: {  	s9 =	rddreg [dreg:$0x7];
	[sflag:s31] =	ssyncadd.s32 $0xFFFFC000  }
0xd5: {  	[hbm4b:s9+s3] =	stream.strided.scatter [tilespmem:s24], [sflag:$0xC], $0x4000, s5, s3, $0x38;
	[tilespmem:$0x1C400] =	vst v63  }
0xd6: {  	_ =	swait.ge [sflag:s30], $0x4000  }
0xd7: {  	[sflag:s30] =	ssyncset.done $0x0  }
0xd8: {  	s20 =	rddreg [dreg:$0x8];
	[sflag:s30] =	ssyncadd.s32 $0xFFFFC000  }
0xd9: {  	[hbm4b:s20+s3] =	stream.strided.scatter [tilespmem:s22], [sflag:$0xD], $0x4000, s5, s3, $0x38;
	[tilespmem:$0x1C400] =	vst v63  }
0xda: {  	_ =	swait.ge [sflag:s29], $0x4000  }
0xdb: {  	[sflag:s29] =	ssyncset.done $0x0  }
0xdc: {  	s22 =	rddreg [dreg:$0x9];
	[sflag:s29] =	ssyncadd.s32 $0xFFFFC000  }
0xdd: {  	[hbm4b:s22+s3] =	stream.strided.scatter [tilespmem:s16], [sflag:$0xE], $0x4000, s5, s3, $0x38;
	[tilespmem:$0x1C400] =	vst v63  }
0xde: {  	_ =	swait.ge [sflag:s26], $0x4000  }
0xdf: {  	[sflag:s26] =	ssyncset.done $0x0  }
0xe0: {  	s24 =	rddreg [dreg:$0xa];
	[sflag:s26] =	ssyncadd.s32 $0xFFFFC000  }
0xe1: {  	[hbm4b:s24+s3] =	stream.strided.scatter [tilespmem:s14], [sflag:$0xF], $0x4000, s5, s3, $0x38;
	[tilespmem:$0x1C400] =	vst v63  }
0xe2: {  	_ =	swait.ge [sflag:s25], $0x4000  }
0xe3: {  	[sflag:s25] =	ssyncset.done $0x0  }
0xe4: {  	s28 =	rddreg [dreg:$0xb];
	[sflag:s25] =	ssyncadd.s32 $0xFFFFC000  }
0xe5: {  	[hbm4b:s28+s3] =	stream.strided.scatter [tilespmem:s13], [sflag:$0x10], $0x4000, s5, s3, $0x38;
	[tilespmem:$0x1C400] =	vst v63  }
0xe6: {  	_ =	swait.ge [sflag:s23], $0x4000  }
0xe7: {  	[sflag:s23] =	ssyncset.done $0x0  }
0xe8: {  	s29 =	rddreg [dreg:$0xc];
	[sflag:s23] =	ssyncadd.s32 $0xFFFFC000  }
0xe9: {  	[hbm4b:s29+s3] =	stream.strided.scatter [tilespmem:s6], [sflag:$0x11], $0x4000, s5, s3, $0x38;
	[tilespmem:$0x1C400] =	vst v63  }
0xea: {  	_ =	swait.ge [sflag:s21], $0x4000  }
0xeb: {  	[sflag:s21] =	ssyncset.done $0x0  }
0xec: {  	s30 =	rddreg [dreg:$0x11];
	[sflag:s21] =	ssyncadd.s32 $0xFFFFC000  }
0xed: {  	[tilespmem:s4], [sflag:$0xA] =	stream.indirect.gather [hbm4b:s2+s3], $0x80, s30, s3, $0xb8;
	[tilespmem:$0x1C400] =	vst v63  }
0xee: {  	_ =	swait.ge [sflag:s19], $0x4000  }
0xef: {  	[sflag:s19] =	ssyncset.done $0x0  }
0xf0: {  	s31 =	rddreg [dreg:$0xd];
	[sflag:s19] =	ssyncadd.s32 $0xFFFFC000  }
0xf1: {  	[hbm4b:s31+s3] =	stream.strided.scatter [tilespmem:s4], [sflag:$0x12], $0x4000, s5, s3, $0x38;
	[tilespmem:$0x1C400] =	vst v63  }
0xf2: {  	_ =	swait.ge [sflag:s17], $0x4000  }
0xf3: {  	[sflag:s17] =	ssyncset.done $0x0  }
0xf4: {  	[sflag:s17] =	ssyncadd.s32 $0xFFFFC000  }
0xf5: {  	_ =	swait.ge [sflag:s15], $0x4000  }
0xf6: {  	[sflag:s15] =	ssyncset.done $0x0  }
0xf7: {  	[sflag:s15] =	ssyncadd.s32 $0xFFFFC000  }
0xf8: {  	_ =	swait.ge [sflag:s12], $0x4000  }
0xf9: {  	[sflag:s12] =	ssyncset.done $0x0  }
0xfa: {  	[sflag:s12] =	ssyncadd.s32 $0xFFFFC000  }
0xfb: {  	_ =	swait.ge [sflag:s11], $0x4000  }
0xfc: {  	[sflag:s11] =	ssyncset.done $0x0  }
0xfd: {  	[sflag:s11] =	ssyncadd.s32 $0xFFFFC000  }
0xfe: {  	_ =	swait.ge [sflag:s10], $0x4000  }
0xff: {  	[sflag:s10] =	ssyncset.done $0x0  }
0x100: {  	[sflag:s10] =	ssyncadd.s32 $0xFFFFC000  }
0x101: {  	_ =	swait.ge [sflag:s8], $0x4000  }
0x102: {  	[sflag:s8] =	ssyncset.done $0x0  }
0x103: {  	[sflag:s8] =	ssyncadd.s32 $0xFFFFC000  }
0x104: {  	_ =	swait.ge [sflag:s7], $0x4000  }
0x105: {  	[sflag:s7] =	ssyncset.done $0x0  }
0x106: {  	[sflag:s7] =	ssyncadd.s32 $0xFFFFC000  }
0x107: {  	_ =	sfence.sel $0x180000  }
0x108: {  	[bflag:$0x0] =	sbarrier.arrive $0xFFFF  }
0x109: {  	_ =	strace $0x90000047  }
0x10a: {  	[bflag:$0x2] =	sbarrier.arrive $0xFFFF  }
0x10b: {  	p0 =	sne.s32 s18, $0x0;
	s0 =	rddreg [dreg:$0x4]  }
0x10c: {  	s0 =	sadd.s32 @!p0 $0x100000, s0  }
0x10d: {  	[sflag:s0] =	ssyncadd.tile.s32 @!p0 $0x1;
	_ =	shalt  }
.LBB2_1:
.Ltmp3:
0x10e: {  	(pc) =	sbr.rel .LBB2_6-.Ltmp3, $2  }
0x10f: {  	_ =	sdelay $0x2  }
0x110: {  	s20 =	rddreg [dreg:$0x12]  }
.LBB2_7:
.Ltmp4:
0x111: {  	(pc) =	sbr.rel .LBB2_6-.Ltmp4, $2  }
0x112: {  	_ =	sdelay $0x2  }
0x113: {  	s20 =	rddreg [dreg:$0x12];
	s18 =	stileid.u32  }
.Lfunc_end2:
_tile_overlayer_lowered:
.L_overlay_start_2:
0x114: {  	(tag) =	ssettag $0x2  }
0x115: {  	s0 =	rddreg [dreg:$0x0];
	s2 =	stileid.u32  }
0x116: {  	s1 =	rddreg [dreg:$0x1];
	p0 =	sne.s32 s2, $0x0  }
0x117: {  	s3 =	rddreg [dreg:$0x2];
	[bflag:$0x3] =	sbarrier.arrive $0xFFFF;
	s2 =	simm.s32 @!p0 $0x1C13  }
0x118: {  	[timem:s3], [sflag:s2] =	dma.local @!p0 [hbm:s0], s1  }
0x119: {  	s0 =	simm.s32 @!p0 $0x13  }
0x11a: {  	_ =	swait.ge @!p0 [sflag:s0], s1  }
0x11b: {  	s1 =	ssub.s32 @!p0 $0x0, s1;
	[sflag:s0] =	ssyncset.done @!p0 $0x0  }
0x11c: {  	[sflag:s0] =	ssyncadd.s32 @!p0 s1  }
0x11d: {  	[bflag:$0x3] =	sbarrier.arrive $0xFFFF  }
0x11e: {  	_ =	shalt  }

</sc_bundles>
